<compile_context>
chip_gen: v7x
topology: tpu7x:2x2x1
jax: 0.10.2.dev20260603
libtpu: 0.0.44.dev20260713+nightly
codegen_flags: <defaults>
</compile_context>

<pallas_src>
import functools

import jax
import jax.numpy as jnp
from jax import lax
from jax.experimental import pallas as pl
from jax.experimental.pallas import tpu as pltpu
from jax.experimental.pallas import tpu_sc as plsc

HEADS = 8
DIM_HEAD = 64
DIM = 384
INNER = HEADS * DIM_HEAD
TOPK = 16
HW = 32
P = HW * HW
NSEL = TOPK * TOPK


def _dot(a, b, dims):
    return lax.dot_general(a, b, (dims, ((), ())),
                           preferred_element_type=jnp.float32)


def _stage1_body(ctx_ref, qs_ref, g_ctx_ref, b_ctx_ref, g_qs_ref, b_qs_ref,
                 wq_ref, wkv_ref, qn_ref, kvt_ref, qsn_ref, idx_ref):
    ctx = ctx_ref[0]
    qs = qs_ref[0]

    def chan_ln(x, g, b):
        mean = jnp.mean(x, axis=0, keepdims=True)
        var = jnp.mean((x - mean) ** 2, axis=0, keepdims=True)
        return (x - mean) * lax.rsqrt(var + 1e-5) * g + b

    ctxn = chan_ln(ctx, g_ctx_ref[...], b_ctx_ref[...])
    qsn = chan_ln(qs, g_qs_ref[...], b_qs_ref[...])
    qsn_ref[0] = qsn

    kv = _dot(wkv_ref[...], ctxn, ((1,), (0,)))
    q = _dot(wq_ref[...], qsn, ((1,), (0,)))
    k = kv[:INNER]
    v = kv[INNER:]


    i0 = jax.lax.broadcasted_iota(jnp.int32, (P, HW), 0)
    i1 = jax.lax.broadcasted_iota(jnp.int32, (P, HW), 1)
    Rm = (i0 // HW == i1).astype(jnp.float32)
    Cm = (i0 % HW == i1).astype(jnp.float32)

    hh = jax.lax.broadcasted_iota(jnp.int32, (HW, HW), 0)
    ww = jax.lax.broadcasted_iota(jnp.int32, (HW, HW), 1)
    LT = (ww < hh).astype(jnp.float32)
    Id64 = (jax.lax.broadcasted_iota(jnp.int32, (DIM_HEAD, DIM_HEAD), 0) ==
            jax.lax.broadcasted_iota(jnp.int32, (DIM_HEAD, DIM_HEAD), 1)
            ).astype(jnp.float32)
    Id16 = (jax.lax.broadcasted_iota(jnp.int32, (TOPK, TOPK), 0) ==
            jax.lax.broadcasted_iota(jnp.int32, (TOPK, TOPK), 1)
            ).astype(jnp.float32)
    ii_col = jax.lax.broadcasted_iota(jnp.int32, (HW, 1), 0).astype(jnp.float32)
    ss_row = jax.lax.broadcasted_iota(jnp.int32, (HW, TOPK), 1).astype(jnp.float32)

    pid = pl.program_id(0)
    qn_all = []
    idx_all = []
    for h in range(HEADS):
        qh = q[h * DIM_HEAD:(h + 1) * DIM_HEAD]
        kh = k[h * DIM_HEAD:(h + 1) * DIM_HEAD]
        vh = v[h * DIM_HEAD:(h + 1) * DIM_HEAD]
        qh = qh * lax.rsqrt(jnp.maximum(
            jnp.sum(qh * qh, axis=0, keepdims=True), 1e-24))
        kh = kh * lax.rsqrt(jnp.maximum(
            jnp.sum(kh * kh, axis=0, keepdims=True), 1e-24))
        qn_all.append(qh)

        kt = jnp.transpose(kh)
        vt = jnp.transpose(vh)
        kvt_ref[0, h * P:(h + 1) * P, :] = jnp.concatenate([kt, vt], axis=1)

        q_probe = jnp.sum(jnp.abs(qh), axis=1, keepdims=True)
        s_pos = jnp.sum(jnp.abs(kh) * q_probe, axis=0, keepdims=True)

        def topk_idx(sel_mat):
            s_row = _dot(s_pos, sel_mat, ((1,), (0,)))
            s_col = _dot(sel_mat, s_pos, ((0,), (1,)))
            vi = jnp.broadcast_to(s_col, (HW, HW))
            vj = jnp.broadcast_to(s_row, (HW, HW))
            beats = (vj > vi) | ((vj == vi) & (ww < hh))
            rank = jnp.sum(beats.astype(jnp.float32), axis=1, keepdims=True)
            sel = (rank < TOPK).astype(jnp.float32)
            pos = _dot(LT, sel, ((1,), (0,)))
            G = sel * (jnp.broadcast_to(pos, (HW, TOPK)) == ss_row)
            return _dot(G, ii_col, ((0,), (0,)))

        ridx = topk_idx(Rm)
        cidx = topk_idx(Cm)
        cidx_row = _dot(cidx, Id16, ((0,), (0,)))
        idx_f = ridx * float(HW) + jnp.broadcast_to(cidx_row, (TOPK, TOPK))
        base = (pid * HEADS + h) * P
        idx_all.append(idx_f.astype(jnp.int32) + base)

    qn_ref[0] = jnp.concatenate(qn_all, axis=0)
    idx_ref[0] = jnp.stack(idx_all, axis=0)


def _sc_gather(kvflat, idx):
    mesh = plsc.VectorSubcoreMesh(core_axis_name="c", subcore_axis_name="s")
    info = plsc.get_sparse_core_info()
    nc = info.num_cores

    @functools.partial(
        pl.kernel, mesh=mesh,
        out_type=jax.ShapeDtypeStruct((32, NSEL, 2 * DIM_HEAD), jnp.float32),
        scratch_types=[
            pltpu.VMEM((2, 128), jnp.int32),
            pltpu.VMEM((NSEL, 2 * DIM_HEAD), jnp.float32),
            pltpu.SemaphoreType.DMA,
        ],
    )
    def gather(kv_hbm, idx_hbm, kvg_hbm, idx_v, buf, sem):
        wid = lax.axis_index("s") * nc + lax.axis_index("c")
        pltpu.sync_copy(idx_hbm.at[wid], idx_v)
        copies = []
        for half in range(2):
            dst = pl.ds(half * 128, 128)
            copies.append(pltpu.async_copy(
                kv_hbm.at[idx_v.at[half]], buf.at[dst], sem))
        for c in copies:
            c.wait()
        pltpu.sync_copy(buf, kvg_hbm.at[wid])

    return gather(kvflat, idx)


def _stage2_body(qn_ref, kvg_ref, wout_ref, qsn_ref, gamma_ref, out_ref):
    ones_ns = jnp.ones((1, NSEL), jnp.float32)
    inner_parts = []
    for h in range(HEADS):
        qh = qn_ref[0][h * DIM_HEAD:(h + 1) * DIM_HEAD]
        kvg = kvg_ref[0, h]
        kg = kvg[:, :DIM_HEAD]
        vg = kvg[:, DIM_HEAD:]
        sim = _dot(qh, kg, ((0,), (1,)))
        e = jnp.exp(sim)
        s_row = _dot(ones_ns, e, ((1,), (1,)))
        o = _dot(vg, e, ((0,), (1,)))
        inner_parts.append(o * (1.0 / s_row))
    inner = jnp.concatenate(inner_parts, axis=0)
    proj = _dot(wout_ref[...], inner, ((1,), (0,)))
    out_ref[0] = gamma_ref[0, 0] * proj + qsn_ref[0]


def kernel(context, query_source, g_ctx, b_ctx, g_qs, b_qs, W_q, W_kv, W_out,
           gamma):
    b = context.shape[0]
    B = b * HEADS
    ctx = context.reshape(b, DIM, P)
    qs = query_source.reshape(b, DIM, P)
    g_ctx = g_ctx.reshape(DIM, 1)
    b_ctx = b_ctx.reshape(DIM, 1)
    g_qs = g_qs.reshape(DIM, 1)
    b_qs = b_qs.reshape(DIM, 1)

    full = lambda shape: pl.BlockSpec(shape, lambda i: (0,) * len(shape))
    batch3 = lambda shape: pl.BlockSpec(shape, lambda i: (i, 0, 0))
    batch4 = lambda shape: pl.BlockSpec(shape, lambda i: (i, 0, 0, 0))

    qn, kvt, qsn, idx = pl.pallas_call(
        _stage1_body,
        grid=(b,),
        in_specs=[
            batch3((1, DIM, P)), batch3((1, DIM, P)),
            full((DIM, 1)), full((DIM, 1)), full((DIM, 1)), full((DIM, 1)),
            full((INNER, DIM)), full((2 * INNER, DIM)),
        ],
        out_specs=[
            batch3((1, INNER, P)),
            batch3((1, HEADS * P, 2 * DIM_HEAD)),
            batch3((1, DIM, P)),
            batch4((1, HEADS, TOPK, TOPK)),
        ],
        out_shape=[
            jax.ShapeDtypeStruct((b, INNER, P), jnp.float32),
            jax.ShapeDtypeStruct((b, HEADS * P, 2 * DIM_HEAD), jnp.float32),
            jax.ShapeDtypeStruct((b, DIM, P), jnp.float32),
            jax.ShapeDtypeStruct((b, HEADS, TOPK, TOPK), jnp.int32),
        ],
    )(ctx, qs, g_ctx, b_ctx, g_qs, b_qs, W_q, W_kv)

    kvflat = kvt.reshape(B * P, 2 * DIM_HEAD)
    idx2 = idx.reshape(B, 2, 128)

    kvg = _sc_gather(kvflat, idx2)
    kvg4 = kvg.reshape(b, HEADS, NSEL, 2 * DIM_HEAD)

    out = pl.pallas_call(
        _stage2_body,
        grid=(b,),
        in_specs=[
            batch3((1, INNER, P)),
            batch4((1, HEADS, NSEL, 2 * DIM_HEAD)),
            full((DIM, INNER)),
            batch3((1, DIM, P)),
            full((1, 1)),
        ],
        out_specs=batch3((1, DIM, P)),
        out_shape=jax.ShapeDtypeStruct((b, DIM, P), jnp.float32),
    )(qn, kvg4, W_out, qsn, gamma.reshape(1, 1))

    return out.reshape(b, DIM, HW, HW)

# --- scband reference (transcript-rebuilt; emitter-appended) ---
"""Pipeline reference for scband-dpca2-d-62878321213854 (READ-ONLY COPY).

The authoritative reference and input builder live on the scoring server;
editing this copy changes nothing except your own understanding.
"""

import jax, jax.numpy as jnp
import numpy as np

HEADS = 8
DIM_HEAD = 64
DIM = 384
INNER = HEADS * DIM_HEAD
H_TOPK = 16
W_TOPK = 16


def chan_ln(x, g, b, eps=1e-5):
    mean = jnp.mean(x, axis=1, keepdims=True)
    var = jnp.var(x, axis=1, keepdims=True)
    return (x - mean) / jnp.sqrt(var + eps) * g + b


def l2norm(x):
    n = jnp.linalg.norm(x, axis=1, keepdims=True)
    return x / jnp.maximum(n, 1e-12)


def setup_inputs(seed: int = 0) -> dict:
    key = jax.random.key(seed)
    ks = jax.random.split(key, 8)
    context = jax.random.normal(ks[0], (4, DIM, 32, 32), dtype=jnp.float32)
    query_source = jax.random.normal(ks[1], (4, DIM, 32, 32), dtype=jnp.float32)
    g_ctx = jnp.ones((1, DIM, 1, 1), dtype=jnp.float32)
    b_ctx = jnp.zeros((1, DIM, 1, 1), dtype=jnp.float32)
    g_qs = jnp.ones((1, DIM, 1, 1), dtype=jnp.float32)
    b_qs = jnp.zeros((1, DIM, 1, 1), dtype=jnp.float32)
    W_q = jax.random.normal(ks[2], (INNER, DIM), dtype=jnp.float32) * 0.02
    W_kv = jax.random.normal(ks[3], (INNER * 2, DIM), dtype=jnp.float32) * 0.02
    W_out = jax.random.normal(ks[4], (DIM, INNER), dtype=jnp.float32) * 0.02
    gamma = jax.random.normal(ks[5], (1,), dtype=jnp.float32) * 0.1
    return {"context": context, "query_source": query_source, "g_ctx": g_ctx, "b_ctx": b_ctx,
            "g_qs": g_qs, "b_qs": b_qs, "W_q": W_q, "W_kv": W_kv, "W_out": W_out, "gamma": gamma}


def reference(context, query_source, g_ctx, b_ctx, g_qs, b_qs, W_q, W_kv, W_out, gamma):
    b, c, H, W = query_source.shape
    height_top_k = H_TOPK
    width_top_k = W_TOPK
    ctx = chan_ln(context, g_ctx, b_ctx)
    qs = chan_ln(query_source, g_qs, b_qs)
    kv = jnp.einsum('oc,bchw->bohw', W_kv, ctx)
    k, v = jnp.split(kv, 2, axis=1)
    q = jnp.einsum('oc,bchw->bohw', W_q, qs)

    def fold(t):
        return t.reshape(b, HEADS, DIM_HEAD, H, W).reshape(b * HEADS, DIM_HEAD, H, W)

    q = fold(q); k = fold(k); v = fold(v)
    q = l2norm(q); k = l2norm(k)

    q_abs = jnp.abs(q)
    k_abs = jnp.abs(k)
    q_probe = jnp.sum(q_abs, axis=(2, 3))  # (B, c)

    # height selection
    k_height = jnp.transpose(jnp.sum(k_abs, axis=3), (0, 2, 1))  # (B, H, c)
    score_r = jnp.einsum('bc,bhc->bh', q_probe, k_height)
    idx_h = jax.lax.top_k(score_r, height_top_k)[1]  # (B, h_k)
    idx_h_full = jnp.broadcast_to(idx_h[:, None, :, None], (k.shape[0], k.shape[1], height_top_k, k.shape[3]))
    k = jnp.take_along_axis(k, idx_h_full, axis=2)
    v = jnp.take_along_axis(v, idx_h_full, axis=2)

    # width selection (uses k_abs computed before height gather, like torch)
    k_width = jnp.sum(k_abs, axis=2)  # (B, c, W)
    score_c = jnp.einsum('bh,bcw->bw', q_probe, k_width)
    idx_w = jax.lax.top_k(score_c, width_top_k)[1]  # (B, w_k)
    idx_w_full = jnp.broadcast_to(idx_w[:, None, None, :], (k.shape[0], k.shape[1], k.shape[2], width_top_k))
    k = jnp.take_along_axis(k, idx_w_full, axis=3)
    v = jnp.take_along_axis(v, idx_w_full, axis=3)

    def flat(t):
        return jnp.transpose(t.reshape(t.shape[0], t.shape[1], -1), (0, 2, 1))

    qf = flat(q); kf = flat(k); vf = flat(v)
    sim = jnp.einsum('bid,bjd->bij', qf, kf)
    attn = jax.nn.softmax(sim, axis=-1)
    out = jnp.einsum('bij,bjd->bid', attn, vf)
    out = out.reshape(b, HEADS, H, W, DIM_HEAD)
    out = jnp.transpose(out, (0, 1, 4, 2, 3)).reshape(b, HEADS * DIM_HEAD, H, W)
    out = jnp.einsum('oc,bchw->bohw', W_out, out)
    return gamma * out + qs

if __name__ == "__main__":
    import jax
    _d = setup_inputs()
    print(jax.jit(kernel)(*tuple(_d.values())))

</pallas_src>

<mosaic_0001>
#map = affine_map<(d0, d1) -> (0, 0)>
#map1 = affine_map<(d0, d1) -> (0, 0, 0)>
module attributes {stable_mosaic.version = 14 : i64} {
  func.func @gather(%arg0: i32, %arg1: i32, %arg2: memref<32768x128xf32, #tpu.memory_space<hbm>>, %arg3: memref<32x2x128xi32, #tpu.memory_space<hbm>>, %arg4: memref<32x256x128xf32, #tpu.memory_space<hbm>>, %arg5: memref<2x128xi32, #tpu.memory_space<vmem>>, %arg6: memref<256x128xf32, #tpu.memory_space<vmem>>, %arg7: memref<!tpu.dma_semaphore, #tpu.memory_space<semaphore_mem>>) attributes {dimension_semantics = [#tpu.dimension_semantics<core_parallel>, #tpu.dimension_semantics<subcore_parallel>], iteration_bounds = array<i64: 2, 16>, scalar_prefetch = 0 : i64, scratch_operands = 3 : i64, tpu.core_type = #tpu.core_type<sc_vector_subcore>, window_params = [{transform_indices = #map}, {transform_indices = #map1}, {transform_indices = #map1}]} {
    %mul3A = arith.constant 2 : i32
    %mul3A_0 = arith.muli %arg1, %mul3A : i32
    %add3A = arith.addi %mul3A_0, %arg0 : i32
    "tpu.region"() ({
      %run_scoped3A = tpu.sem_alloc : memref<!tpu.dma_semaphore, #tpu.memory_space<semaphore_mem>>
      %dma_start3A_39 = arith.constant 0 : i32
      %dma_start3A_40 = arith.constant 0 : i32
      %dma_start3A_41 = tpu.memref_slice %arg3[%add3A, %dma_start3A_39, %dma_start3A_40] : memref<32x2x128xi32, #tpu.memory_space<hbm>> -> memref<1x2x128xi32, #tpu.memory_space<hbm>>
      %dma_start3A_42 = tpu.memref_squeeze %dma_start3A_41 : memref<1x2x128xi32, #tpu.memory_space<hbm>> -> memref<2x128xi32, #tpu.memory_space<hbm>>
      %dma_start3A_43 = arith.constant 0 : i32
      %dma_start3A_44 = arith.constant 0 : i32
      %dma_start3A_45 = tpu.memref_slice %arg3[%add3A, %dma_start3A_43, %dma_start3A_44] : memref<32x2x128xi32, #tpu.memory_space<hbm>> -> memref<1x2x128xi32, #tpu.memory_space<hbm>>
      %dma_start3A_46 = tpu.memref_squeeze %dma_start3A_45 : memref<1x2x128xi32, #tpu.memory_space<hbm>> -> memref<2x128xi32, #tpu.memory_space<hbm>>
      tpu.enqueue_dma source(%dma_start3A_46 : memref<2x128xi32, #tpu.memory_space<hbm>>) target(%arg5 : memref<2x128xi32, #tpu.memory_space<vmem>>) target_semaphore(%run_scoped3A : memref<!tpu.dma_semaphore, #tpu.memory_space<semaphore_mem>>)
      %dma_wait3A_47 = arith.constant 0 : i32
      %dma_wait3A_48 = arith.constant 0 : i32
      %dma_wait3A_49 = tpu.memref_slice %arg3[%add3A, %dma_wait3A_47, %dma_wait3A_48] : memref<32x2x128xi32, #tpu.memory_space<hbm>> -> memref<1x2x128xi32, #tpu.memory_space<hbm>>
      %dma_wait3A_50 = tpu.memref_squeeze %dma_wait3A_49 : memref<1x2x128xi32, #tpu.memory_space<hbm>> -> memref<2x128xi32, #tpu.memory_space<hbm>>
      %dma_wait3A_51 = arith.constant 0 : i32
      %dma_wait3A_52 = arith.constant 0 : i32
      %dma_wait3A_53 = tpu.memref_slice %arg3[%add3A, %dma_wait3A_51, %dma_wait3A_52] : memref<32x2x128xi32, #tpu.memory_space<hbm>> -> memref<1x2x128xi32, #tpu.memory_space<hbm>>
      %dma_wait3A_54 = tpu.memref_squeeze %dma_wait3A_53 : memref<1x2x128xi32, #tpu.memory_space<hbm>> -> memref<2x128xi32, #tpu.memory_space<hbm>>
      tpu.wait_dma2 semaphore(%run_scoped3A : memref<!tpu.dma_semaphore, #tpu.memory_space<semaphore_mem>>) src(%dma_wait3A_54 : memref<2x128xi32, #tpu.memory_space<hbm>>) dst(%arg5 : memref<2x128xi32, #tpu.memory_space<vmem>>)
      tpu.yield
    }) : () -> ()
    %dma_start3A = arith.constant 0 : i32
    %dma_start3A_1 = arith.constant 0 : i32
    %dma_start3A_2 = arith.constant 0 : i32
    %dma_start3A_3 = tpu.memref_slice %arg6[%dma_start3A_1, %dma_start3A_2] : memref<256x128xf32, #tpu.memory_space<vmem>> -> memref<128x128xf32, #tpu.memory_space<vmem>>
    %dma_start3A_4 = arith.constant 0 : i32
    %dma_start3A_5 = tpu.memref_slice %arg5[%dma_start3A, %dma_start3A_4] : memref<2x128xi32, #tpu.memory_space<vmem>> -> memref<1x128xi32, #tpu.memory_space<vmem>>
    %dma_start3A_6 = tpu.memref_squeeze %dma_start3A_5 : memref<1x128xi32, #tpu.memory_space<vmem>> -> memref<128xi32, #tpu.memory_space<vmem>>
    %dma_start3A_7 = arith.constant 0 : i32
    %dma_start3A_8 = arith.constant 0 : i32
    %dma_start3A_9 = tpu.memref_slice %arg2[%dma_start3A_7, %dma_start3A_8] : memref<32768x128xf32, #tpu.memory_space<hbm>> -> memref<32768x128xf32, #tpu.memory_space<hbm>>
    tpu.enqueue_indirect_dma source(%dma_start3A_9 : memref<32768x128xf32, #tpu.memory_space<hbm>>) target(%dma_start3A_3 : memref<128x128xf32, #tpu.memory_space<vmem>>) offsets(%dma_start3A_6 : memref<128xi32, #tpu.memory_space<vmem>>) semaphore(%arg7 : memref<!tpu.dma_semaphore, #tpu.memory_space<semaphore_mem>>)
    %dma_start3A_10 = arith.constant 1 : i32
    %dma_start3A_11 = arith.constant 128 : i32
    %dma_start3A_12 = arith.constant 0 : i32
    %dma_start3A_13 = tpu.memref_slice %arg6[%dma_start3A_11, %dma_start3A_12] : memref<256x128xf32, #tpu.memory_space<vmem>> -> memref<128x128xf32, #tpu.memory_space<vmem>>
    %dma_start3A_14 = arith.constant 0 : i32
    %dma_start3A_15 = tpu.memref_slice %arg5[%dma_start3A_10, %dma_start3A_14] : memref<2x128xi32, #tpu.memory_space<vmem>> -> memref<1x128xi32, #tpu.memory_space<vmem>>
    %dma_start3A_16 = tpu.memref_squeeze %dma_start3A_15 : memref<1x128xi32, #tpu.memory_space<vmem>> -> memref<128xi32, #tpu.memory_space<vmem>>
    %dma_start3A_17 = arith.constant 0 : i32
    %dma_start3A_18 = arith.constant 0 : i32
    %dma_start3A_19 = tpu.memref_slice %arg2[%dma_start3A_17, %dma_start3A_18] : memref<32768x128xf32, #tpu.memory_space<hbm>> -> memref<32768x128xf32, #tpu.memory_space<hbm>>
    tpu.enqueue_indirect_dma source(%dma_start3A_19 : memref<32768x128xf32, #tpu.memory_space<hbm>>) target(%dma_start3A_13 : memref<128x128xf32, #tpu.memory_space<vmem>>) offsets(%dma_start3A_16 : memref<128xi32, #tpu.memory_space<vmem>>) semaphore(%arg7 : memref<!tpu.dma_semaphore, #tpu.memory_space<semaphore_mem>>)
    %dma_wait3A = arith.constant 0 : i32
    %dma_wait3A_20 = arith.constant 0 : i32
    %dma_wait3A_21 = arith.constant 0 : i32
    %dma_wait3A_22 = tpu.memref_slice %arg6[%dma_wait3A_20, %dma_wait3A_21] : memref<256x128xf32, #tpu.memory_space<vmem>> -> memref<128x128xf32, #tpu.memory_space<vmem>>
    %dma_wait3A_23 = arith.constant 0 : i32
    %dma_wait3A_24 = tpu.memref_slice %arg5[%dma_wait3A, %dma_wait3A_23] : memref<2x128xi32, #tpu.memory_space<vmem>> -> memref<1x128xi32, #tpu.memory_space<vmem>>
    %dma_wait3A_25 = tpu.memref_squeeze %dma_wait3A_24 : memref<1x128xi32, #tpu.memory_space<vmem>> -> memref<128xi32, #tpu.memory_space<vmem>>
    %dma_wait3A_26 = arith.constant 0 : i32
    %dma_wait3A_27 = arith.constant 0 : i32
    %dma_wait3A_28 = tpu.memref_slice %arg2[%dma_wait3A_26, %dma_wait3A_27] : memref<32768x128xf32, #tpu.memory_space<hbm>> -> memref<32768x128xf32, #tpu.memory_space<hbm>>
    tpu.wait_indirect_dma semaphore(%arg7 : memref<!tpu.dma_semaphore, #tpu.memory_space<semaphore_mem>>) src(%dma_wait3A_28 : memref<32768x128xf32, #tpu.memory_space<hbm>>) dst(%dma_wait3A_22 : memref<128x128xf32, #tpu.memory_space<vmem>>)
    %dma_wait3A_29 = arith.constant 1 : i32
    %dma_wait3A_30 = arith.constant 128 : i32
    %dma_wait3A_31 = arith.constant 0 : i32
    %dma_wait3A_32 = tpu.memref_slice %arg6[%dma_wait3A_30, %dma_wait3A_31] : memref<256x128xf32, #tpu.memory_space<vmem>> -> memref<128x128xf32, #tpu.memory_space<vmem>>
    %dma_wait3A_33 = arith.constant 0 : i32
    %dma_wait3A_34 = tpu.memref_slice %arg5[%dma_wait3A_29, %dma_wait3A_33] : memref<2x128xi32, #tpu.memory_space<vmem>> -> memref<1x128xi32, #tpu.memory_space<vmem>>
    %dma_wait3A_35 = tpu.memref_squeeze %dma_wait3A_34 : memref<1x128xi32, #tpu.memory_space<vmem>> -> memref<128xi32, #tpu.memory_space<vmem>>
    %dma_wait3A_36 = arith.constant 0 : i32
    %dma_wait3A_37 = arith.constant 0 : i32
    %dma_wait3A_38 = tpu.memref_slice %arg2[%dma_wait3A_36, %dma_wait3A_37] : memref<32768x128xf32, #tpu.memory_space<hbm>> -> memref<32768x128xf32, #tpu.memory_space<hbm>>
    tpu.wait_indirect_dma semaphore(%arg7 : memref<!tpu.dma_semaphore, #tpu.memory_space<semaphore_mem>>) src(%dma_wait3A_38 : memref<32768x128xf32, #tpu.memory_space<hbm>>) dst(%dma_wait3A_32 : memref<128x128xf32, #tpu.memory_space<vmem>>)
    "tpu.region"() ({
      %run_scoped3A = tpu.sem_alloc : memref<!tpu.dma_semaphore, #tpu.memory_space<semaphore_mem>>
      %dma_start3A_39 = arith.constant 0 : i32
      %dma_start3A_40 = arith.constant 0 : i32
      %dma_start3A_41 = tpu.memref_slice %arg4[%add3A, %dma_start3A_39, %dma_start3A_40] : memref<32x256x128xf32, #tpu.memory_space<hbm>> -> memref<1x256x128xf32, #tpu.memory_space<hbm>>
      %dma_start3A_42 = tpu.memref_squeeze %dma_start3A_41 : memref<1x256x128xf32, #tpu.memory_space<hbm>> -> memref<256x128xf32, #tpu.memory_space<hbm>>
      %dma_start3A_43 = arith.constant 0 : i32
      %dma_start3A_44 = arith.constant 0 : i32
      %dma_start3A_45 = tpu.memref_slice %arg4[%add3A, %dma_start3A_43, %dma_start3A_44] : memref<32x256x128xf32, #tpu.memory_space<hbm>> -> memref<1x256x128xf32, #tpu.memory_space<hbm>>
      %dma_start3A_46 = tpu.memref_squeeze %dma_start3A_45 : memref<1x256x128xf32, #tpu.memory_space<hbm>> -> memref<256x128xf32, #tpu.memory_space<hbm>>
      tpu.enqueue_dma source(%arg6 : memref<256x128xf32, #tpu.memory_space<vmem>>) target(%dma_start3A_46 : memref<256x128xf32, #tpu.memory_space<hbm>>) target_semaphore(%run_scoped3A : memref<!tpu.dma_semaphore, #tpu.memory_space<semaphore_mem>>)
      %dma_wait3A_47 = arith.constant 0 : i32
      %dma_wait3A_48 = arith.constant 0 : i32
      %dma_wait3A_49 = tpu.memref_slice %arg4[%add3A, %dma_wait3A_47, %dma_wait3A_48] : memref<32x256x128xf32, #tpu.memory_space<hbm>> -> memref<1x256x128xf32, #tpu.memory_space<hbm>>
      %dma_wait3A_50 = tpu.memref_squeeze %dma_wait3A_49 : memref<1x256x128xf32, #tpu.memory_space<hbm>> -> memref<256x128xf32, #tpu.memory_space<hbm>>
      %dma_wait3A_51 = arith.constant 0 : i32
      %dma_wait3A_52 = arith.constant 0 : i32
      %dma_wait3A_53 = tpu.memref_slice %arg4[%add3A, %dma_wait3A_51, %dma_wait3A_52] : memref<32x256x128xf32, #tpu.memory_space<hbm>> -> memref<1x256x128xf32, #tpu.memory_space<hbm>>
      %dma_wait3A_54 = tpu.memref_squeeze %dma_wait3A_53 : memref<1x256x128xf32, #tpu.memory_space<hbm>> -> memref<256x128xf32, #tpu.memory_space<hbm>>
      tpu.wait_dma2 semaphore(%run_scoped3A : memref<!tpu.dma_semaphore, #tpu.memory_space<semaphore_mem>>) src(%arg6 : memref<256x128xf32, #tpu.memory_space<vmem>>) dst(%dma_wait3A_54 : memref<256x128xf32, #tpu.memory_space<hbm>>)
      tpu.yield
    }) : () -> ()
    return
  }
}

module attributes {stable_mosaic.version = 14 : i64} {
  func.func @_stage1_body(%arg0: i32, %arg1: memref<1x384x1024xf32, #tpu.memory_space<vmem>>, %arg2: memref<1x384x1024xf32, #tpu.memory_space<vmem>>, %arg3: memref<384x1xf32, #tpu.memory_space<vmem>>, %arg4: memref<384x1xf32, #tpu.memory_space<vmem>>, %arg5: memref<384x1xf32, #tpu.memory_space<vmem>>, %arg6: memref<384x1xf32, #tpu.memory_space<vmem>>, %arg7: memref<512x384xf32, #tpu.memory_space<vmem>>, %arg8: memref<1024x384xf32, #tpu.memory_space<vmem>>, %arg9: memref<1x512x1024xf32, #tpu.memory_space<vmem>>, %arg10: memref<1x8192x128xf32, #tpu.memory_space<vmem>>, %arg11: memref<1x384x1024xf32, #tpu.memory_space<vmem>>, %arg12: memref<1x8x16x16xi32, #tpu.memory_space<vmem>>) attributes {dimension_semantics = [#tpu.dimension_semantics<arbitrary>], iteration_bounds = array<i64: 4>, scalar_prefetch = 0 : i64, scratch_operands = 0 : i64, tpu.core_type = #tpu.core_type<tc>, window_params = [{transform_indices = @transform_0, window_bounds = array<i64: 1, 384, 1024>}, {transform_indices = @transform_1, window_bounds = array<i64: 1, 384, 1024>}, {pipeline_mode = #tpu.pipeline_mode<synchronous>, transform_indices = @transform_2, window_bounds = array<i64: 384, 1>}, {pipeline_mode = #tpu.pipeline_mode<synchronous>, transform_indices = @transform_3, window_bounds = array<i64: 384, 1>}, {pipeline_mode = #tpu.pipeline_mode<synchronous>, transform_indices = @transform_4, window_bounds = array<i64: 384, 1>}, {pipeline_mode = #tpu.pipeline_mode<synchronous>, transform_indices = @transform_5, window_bounds = array<i64: 384, 1>}, {pipeline_mode = #tpu.pipeline_mode<synchronous>, transform_indices = @transform_6, window_bounds = array<i64: 512, 384>}, {pipeline_mode = #tpu.pipeline_mode<synchronous>, transform_indices = @transform_7, window_bounds = array<i64: 1024, 384>}, {transform_indices = @transform_8, window_bounds = array<i64: 1, 512, 1024>}, {transform_indices = @transform_9, window_bounds = array<i64: 1, 8192, 128>}, {transform_indices = @transform_10, window_bounds = array<i64: 1, 384, 1024>}, {transform_indices = @transform_11, window_bounds = array<i64: 1, 8, 16, 16>}]} {
    %get3A = arith.constant 0 : index
    %get3A_0 = arith.constant 0 : index
    %get3A_1 = arith.constant 0 : index
    %get3A_2 = vector.load %arg1[%get3A, %get3A_0, %get3A_1] : memref<1x384x1024xf32, #tpu.memory_space<vmem>>, vector<1x384x1024xf32>
    %get3A_3 = vector.shape_cast %get3A_2 : vector<1x384x1024xf32> to vector<384x1024xf32>
    %get3A_4 = arith.constant 0 : index
    %get3A_5 = arith.constant 0 : index
    %get3A_6 = arith.constant 0 : index
    %get3A_7 = vector.load %arg2[%get3A_4, %get3A_5, %get3A_6] : memref<1x384x1024xf32, #tpu.memory_space<vmem>>, vector<1x384x1024xf32>
    %get3A_8 = vector.shape_cast %get3A_7 : vector<1x384x1024xf32> to vector<384x1024xf32>
    %get3A_9 = arith.constant 0 : index
    %get3A_10 = arith.constant 0 : index
    %get3A_11 = vector.load %arg3[%get3A_9, %get3A_10] : memref<384x1xf32, #tpu.memory_space<vmem>>, vector<384x1xf32>
    %get3A_12 = arith.constant 0 : index
    %get3A_13 = arith.constant 0 : index
    %get3A_14 = vector.load %arg4[%get3A_12, %get3A_13] : memref<384x1xf32, #tpu.memory_space<vmem>>, vector<384x1xf32>
    %reduce_sum3A = arith.constant dense<0.000000e+00> : vector<1024xf32>
    %reduce_sum3A_15 = vector.multi_reduction <add>, %get3A_3, %reduce_sum3A [0] : vector<384x1024xf32> to vector<1024xf32>
    %broadcast_in_dim3A = vector.shape_cast %reduce_sum3A_15 : vector<1024xf32> to vector<1x1024xf32>
    %div3A = arith.constant 3.840000e+02 : f32
    %div3A_16 = vector.broadcast %div3A : f32 to vector<1x1024xf32>
    %div3A_17 = arith.divf %broadcast_in_dim3A, %div3A_16 : vector<1x1024xf32>
    %sub3A = vector.broadcast %div3A_17 : vector<1x1024xf32> to vector<384x1024xf32>
    %sub3A_18 = arith.subf %get3A_3, %sub3A : vector<384x1024xf32>
    %integer_pow3A = arith.mulf %sub3A_18, %sub3A_18 : vector<384x1024xf32>
    %reduce_sum3A_19 = arith.constant dense<0.000000e+00> : vector<1024xf32>
    %reduce_sum3A_20 = vector.multi_reduction <add>, %integer_pow3A, %reduce_sum3A_19 [0] : vector<384x1024xf32> to vector<1024xf32>
    %broadcast_in_dim3A_21 = vector.shape_cast %reduce_sum3A_20 : vector<1024xf32> to vector<1x1024xf32>
    %div3A_22 = arith.constant 3.840000e+02 : f32
    %div3A_23 = vector.broadcast %div3A_22 : f32 to vector<1x1024xf32>
    %div3A_24 = arith.divf %broadcast_in_dim3A_21, %div3A_23 : vector<1x1024xf32>
    %sub3A_25 = vector.broadcast %div3A_17 : vector<1x1024xf32> to vector<384x1024xf32>
    %sub3A_26 = arith.subf %get3A_3, %sub3A_25 : vector<384x1024xf32>
    %add3A = arith.constant 9.99999974E-6 : f32
    %add3A_27 = vector.broadcast %add3A : f32 to vector<1x1024xf32>
    %add3A_28 = arith.addf %div3A_24, %add3A_27 : vector<1x1024xf32>
    %rsqrt3A = math.rsqrt %add3A_28 : vector<1x1024xf32>
    %mul3A = vector.broadcast %rsqrt3A : vector<1x1024xf32> to vector<384x1024xf32>
    %mul3A_29 = arith.mulf %sub3A_26, %mul3A : vector<384x1024xf32>
    %mul3A_30 = vector.broadcast %get3A_11 : vector<384x1xf32> to vector<384x1024xf32>
    %mul3A_31 = arith.mulf %mul3A_29, %mul3A_30 : vector<384x1024xf32>
    %add3A_32 = vector.broadcast %get3A_14 : vector<384x1xf32> to vector<384x1024xf32>
    %add3A_33 = arith.addf %mul3A_31, %add3A_32 : vector<384x1024xf32>
    %get3A_34 = arith.constant 0 : index
    %get3A_35 = arith.constant 0 : index
    %get3A_36 = vector.load %arg5[%get3A_34, %get3A_35] : memref<384x1xf32, #tpu.memory_space<vmem>>, vector<384x1xf32>
    %get3A_37 = arith.constant 0 : index
    %get3A_38 = arith.constant 0 : index
    %get3A_39 = vector.load %arg6[%get3A_37, %get3A_38] : memref<384x1xf32, #tpu.memory_space<vmem>>, vector<384x1xf32>
    %reduce_sum3A_40 = arith.constant dense<0.000000e+00> : vector<1024xf32>
    %reduce_sum3A_41 = vector.multi_reduction <add>, %get3A_8, %reduce_sum3A_40 [0] : vector<384x1024xf32> to vector<1024xf32>
    %broadcast_in_dim3A_42 = vector.shape_cast %reduce_sum3A_41 : vector<1024xf32> to vector<1x1024xf32>
    %div3A_43 = arith.constant 3.840000e+02 : f32
    %div3A_44 = vector.broadcast %div3A_43 : f32 to vector<1x1024xf32>
    %div3A_45 = arith.divf %broadcast_in_dim3A_42, %div3A_44 : vector<1x1024xf32>
    %sub3A_46 = vector.broadcast %div3A_45 : vector<1x1024xf32> to vector<384x1024xf32>
    %sub3A_47 = arith.subf %get3A_8, %sub3A_46 : vector<384x1024xf32>
    %integer_pow3A_48 = arith.mulf %sub3A_47, %sub3A_47 : vector<384x1024xf32>
    %reduce_sum3A_49 = arith.constant dense<0.000000e+00> : vector<1024xf32>
    %reduce_sum3A_50 = vector.multi_reduction <add>, %integer_pow3A_48, %reduce_sum3A_49 [0] : vector<384x1024xf32> to vector<1024xf32>
    %broadcast_in_dim3A_51 = vector.shape_cast %reduce_sum3A_50 : vector<1024xf32> to vector<1x1024xf32>
    %div3A_52 = arith.constant 3.840000e+02 : f32
    %div3A_53 = vector.broadcast %div3A_52 : f32 to vector<1x1024xf32>
    %div3A_54 = arith.divf %broadcast_in_dim3A_51, %div3A_53 : vector<1x1024xf32>
    %sub3A_55 = vector.broadcast %div3A_45 : vector<1x1024xf32> to vector<384x1024xf32>
    %sub3A_56 = arith.subf %get3A_8, %sub3A_55 : vector<384x1024xf32>
    %add3A_57 = arith.constant 9.99999974E-6 : f32
    %add3A_58 = vector.broadcast %add3A_57 : f32 to vector<1x1024xf32>
    %add3A_59 = arith.addf %div3A_54, %add3A_58 : vector<1x1024xf32>
    %rsqrt3A_60 = math.rsqrt %add3A_59 : vector<1x1024xf32>
    %mul3A_61 = vector.broadcast %rsqrt3A_60 : vector<1x1024xf32> to vector<384x1024xf32>
    %mul3A_62 = arith.mulf %sub3A_56, %mul3A_61 : vector<384x1024xf32>
    %mul3A_63 = vector.broadcast %get3A_36 : vector<384x1xf32> to vector<384x1024xf32>
    %mul3A_64 = arith.mulf %mul3A_62, %mul3A_63 : vector<384x1024xf32>
    %add3A_65 = vector.broadcast %get3A_39 : vector<384x1xf32> to vector<384x1024xf32>
    %add3A_66 = arith.addf %mul3A_64, %add3A_65 : vector<384x1024xf32>
    %swap3A = arith.constant 0 : index
    %swap3A_67 = arith.constant 0 : index
    %swap3A_68 = arith.constant 0 : index
    %swap3A_69 = vector.load %arg11[%swap3A, %swap3A_67, %swap3A_68] : memref<1x384x1024xf32, #tpu.memory_space<vmem>>, vector<1x384x1024xf32>
    %swap3A_70 = vector.shape_cast %swap3A_69 : vector<1x384x1024xf32> to vector<384x1024xf32>
    %swap3A_71 = vector.shape_cast %add3A_66 : vector<384x1024xf32> to vector<1x384x1024xf32>
    tpu.vector_store %arg11[%swap3A, %swap3A_67, %swap3A_68], %swap3A_71 {strides = array<i32>} : memref<1x384x1024xf32, #tpu.memory_space<vmem>>, vector<1x384x1024xf32>,
    %get3A_72 = arith.constant 0 : index
    %get3A_73 = arith.constant 0 : index
    %get3A_74 = vector.load %arg8[%get3A_72, %get3A_73] : memref<1024x384xf32, #tpu.memory_space<vmem>>, vector<1024x384xf32>
    %dot_general3A = arith.constant dense<0.000000e+00> : vector<1024x1024xf32>
    %dot_general3A_75 = tpu.matmul %get3A_74, %add3A_33, %dot_general3A {dimension_numbers = #tpu.dot_dimension_numbers<[1], [0], [0], [1], [0, 0, 1, 1], [], []>, transpose_lhs_hint = false} : vector<1024x384xf32>, vector<384x1024xf32>, vector<1024x1024xf32> -> vector<1024x1024xf32>
    %get3A_76 = arith.constant 0 : index
    %get3A_77 = arith.constant 0 : index
    %get3A_78 = vector.load %arg7[%get3A_76, %get3A_77] : memref<512x384xf32, #tpu.memory_space<vmem>>, vector<512x384xf32>
    %dot_general3A_79 = arith.constant dense<0.000000e+00> : vector<512x1024xf32>
    %dot_general3A_80 = tpu.matmul %get3A_78, %add3A_66, %dot_general3A_79 {dimension_numbers = #tpu.dot_dimension_numbers<[1], [0], [0], [1], [0, 0, 1, 1], [], []>, transpose_lhs_hint = false} : vector<512x384xf32>, vector<384x1024xf32>, vector<512x1024xf32> -> vector<512x1024xf32>
    %slice3A = vector.extract_strided_slice %dot_general3A_75 {offsets = [0, 0], sizes = [512, 1024], strides = [1, 1]} : vector<1024x1024xf32> to vector<512x1024xf32>
    %slice3A_81 = vector.extract_strided_slice %dot_general3A_75 {offsets = [512, 0], sizes = [512, 1024], strides = [1, 1]} : vector<1024x1024xf32> to vector<512x1024xf32>
    %iota3A = tpu.iota {dimensions = array<i32: 0>} : vector<1024x32xi32>
    %iota3A_82 = tpu.iota {dimensions = array<i32: 1>} : vector<1024x32xi32>
    %jit3A = arith.constant 32 : i32
    %div3A_83 = vector.broadcast %jit3A : i32 to vector<1024x32xi32>
    %div3A_84 = arith.divsi %iota3A, %div3A_83 : vector<1024x32xi32>
    %sign3A = arith.constant 0 : i32
    %sign3A_85 = vector.broadcast %sign3A : i32 to vector<1024x32xi32>
    %sign3A_86 = arith.cmpi sgt, %iota3A, %sign3A_85 : vector<1024x32xi32>
    %sign3A_87 = arith.extui %sign3A_86 : vector<1024x32xi1> to vector<1024x32xi32>
    %sign3A_88 = arith.constant 0 : i32
    %sign3A_89 = vector.broadcast %sign3A_88 : i32 to vector<1024x32xi32>
    %sign3A_90 = arith.cmpi slt, %iota3A, %sign3A_89 : vector<1024x32xi32>
    %sign3A_91 = arith.extui %sign3A_90 : vector<1024x32xi1> to vector<1024x32xi32>
    %sign3A_92 = arith.subi %sign3A_87, %sign3A_91 : vector<1024x32xi32>
    %sign3A_93 = arith.constant 0 : i32
    %sign3A_94 = arith.cmpi sgt, %jit3A, %sign3A_93 : i32
    %sign3A_95 = arith.extui %sign3A_94 : i1 to i32
    %sign3A_96 = arith.constant 0 : i32
    %sign3A_97 = arith.cmpi slt, %jit3A, %sign3A_96 : i32
    %sign3A_98 = arith.extui %sign3A_97 : i1 to i32
    %sign3A_99 = arith.subi %sign3A_95, %sign3A_98 : i32
    %ne3A = vector.broadcast %sign3A_99 : i32 to vector<1024x32xi32>
    %ne3A_100 = arith.cmpi ne, %sign3A_92, %ne3A : vector<1024x32xi32>
    %rem3A = vector.broadcast %jit3A : i32 to vector<1024x32xi32>
    %rem3A_101 = arith.remsi %iota3A, %rem3A : vector<1024x32xi32>
    %ne3A_102 = arith.constant 0 : i32
    %ne3A_103 = vector.broadcast %ne3A_102 : i32 to vector<1024x32xi32>
    %ne3A_104 = arith.cmpi ne, %rem3A_101, %ne3A_103 : vector<1024x32xi32>
    %and3A = arith.andi %ne3A_100, %ne3A_104 : vector<1024x32xi1>
    %sub3A_105 = arith.constant 1 : i32
    %sub3A_106 = vector.broadcast %sub3A_105 : i32 to vector<1024x32xi32>
    %sub3A_107 = arith.subi %div3A_84, %sub3A_106 : vector<1024x32xi32>
    %select_n3A = arith.select %and3A, %sub3A_107, %div3A_84 : vector<1024x32xi1>, vector<1024x32xi32>
    %eq3A = arith.cmpi eq, %select_n3A, %iota3A_82 : vector<1024x32xi32>
    %convert_element_type3A = arith.extui %eq3A : vector<1024x32xi1> to vector<1024x32xi32>
    %convert_element_type3A_108 = arith.sitofp %convert_element_type3A : vector<1024x32xi32> to vector<1024x32xf32>
    %jit3A_109 = arith.constant 32 : i32
    %eq3A_110 = arith.constant 0 : i32
    %eq3A_111 = arith.cmpi eq, %jit3A_109, %eq3A_110 : i32
    %jit3A_112 = arith.constant 1 : i32
    %select_n3A_113 = arith.select %eq3A_111, %jit3A_112, %jit3A_109 : i32
    %rem3A_114 = vector.broadcast %select_n3A_113 : i32 to vector<1024x32xi32>
    %rem3A_115 = arith.remsi %iota3A, %rem3A_114 : vector<1024x32xi32>
    %ne3A_116 = arith.constant 0 : i32
    %ne3A_117 = vector.broadcast %ne3A_116 : i32 to vector<1024x32xi32>
    %ne3A_118 = arith.cmpi ne, %rem3A_115, %ne3A_117 : vector<1024x32xi32>
    %lt3A = arith.constant 0 : i32
    %lt3A_119 = vector.broadcast %lt3A : i32 to vector<1024x32xi32>
    %lt3A_120 = arith.cmpi slt, %rem3A_115, %lt3A_119 : vector<1024x32xi32>
    %lt3A_121 = arith.constant 0 : i32
    %lt3A_122 = arith.cmpi slt, %select_n3A_113, %lt3A_121 : i32
    %ne3A_123 = vector.broadcast %lt3A_122 : i1 to vector<1024x32xi1>
    %ne3A_124 = vector.broadcast %ne3A_123 : vector<1024x32xi1> to vector<1024x32xi1>
    %ne3A_125 = arith.xori %lt3A_120, %ne3A_124 : vector<1024x32xi1>
    %and3A_126 = arith.andi %ne3A_125, %ne3A_118 : vector<1024x32xi1>
    %add3A_127 = vector.broadcast %select_n3A_113 : i32 to vector<1024x32xi32>
    %add3A_128 = arith.addi %rem3A_115, %add3A_127 : vector<1024x32xi32>
    %select_n3A_129 = arith.select %and3A_126, %add3A_128, %rem3A_115 : vector<1024x32xi1>, vector<1024x32xi32>
    %eq3A_130 = arith.cmpi eq, %select_n3A_129, %iota3A_82 : vector<1024x32xi32>
    %convert_element_type3A_131 = arith.extui %eq3A_130 : vector<1024x32xi1> to vector<1024x32xi32>
    %convert_element_type3A_132 = arith.sitofp %convert_element_type3A_131 : vector<1024x32xi32> to vector<1024x32xf32>
    %iota3A_133 = tpu.iota {dimensions = array<i32: 0>} : vector<32x32xi32>
    %iota3A_134 = tpu.iota {dimensions = array<i32: 1>} : vector<32x32xi32>
    %lt3A_135 = arith.cmpi slt, %iota3A_134, %iota3A_133 : vector<32x32xi32>
    %convert_element_type3A_136 = arith.extui %lt3A_135 : vector<32x32xi1> to vector<32x32xi32>
    %convert_element_type3A_137 = arith.sitofp %convert_element_type3A_136 : vector<32x32xi32> to vector<32x32xf32>
    %iota3A_138 = tpu.iota {dimensions = array<i32: 0>} : vector<16x16xi32>
    %iota3A_139 = tpu.iota {dimensions = array<i32: 1>} : vector<16x16xi32>
    %eq3A_140 = arith.cmpi eq, %iota3A_138, %iota3A_139 : vector<16x16xi32>
    %convert_element_type3A_141 = arith.extui %eq3A_140 : vector<16x16xi1> to vector<16x16xi32>
    %convert_element_type3A_142 = arith.sitofp %convert_element_type3A_141 : vector<16x16xi32> to vector<16x16xf32>
    %iota3A_143 = tpu.iota {dimensions = array<i32: 0>} : vector<32x1xi32>
    %convert_element_type3A_144 = arith.sitofp %iota3A_143 : vector<32x1xi32> to vector<32x1xf32>
    %iota3A_145 = tpu.iota {dimensions = array<i32: 1>} : vector<32x16xi32>
    %convert_element_type3A_146 = arith.sitofp %iota3A_145 : vector<32x16xi32> to vector<32x16xf32>
    %slice3A_147 = vector.extract_strided_slice %dot_general3A_80 {offsets = [0, 0], sizes = [64, 1024], strides = [1, 1]} : vector<512x1024xf32> to vector<64x1024xf32>
    %slice3A_148 = vector.extract_strided_slice %slice3A {offsets = [0, 0], sizes = [64, 1024], strides = [1, 1]} : vector<512x1024xf32> to vector<64x1024xf32>
    %slice3A_149 = vector.extract_strided_slice %slice3A_81 {offsets = [0, 0], sizes = [64, 1024], strides = [1, 1]} : vector<512x1024xf32> to vector<64x1024xf32>
    %mul3A_150 = arith.mulf %slice3A_147, %slice3A_147 : vector<64x1024xf32>
    %reduce_sum3A_151 = arith.constant dense<0.000000e+00> : vector<1024xf32>
    %reduce_sum3A_152 = vector.multi_reduction <add>, %mul3A_150, %reduce_sum3A_151 [0] : vector<64x1024xf32> to vector<1024xf32>
    %broadcast_in_dim3A_153 = vector.shape_cast %reduce_sum3A_152 : vector<1024xf32> to vector<1x1024xf32>
    %max3A = arith.constant 1.000000e-24 : f32
    %max3A_154 = vector.broadcast %max3A : f32 to vector<1x1024xf32>
    %max3A_155 = arith.maximumf %broadcast_in_dim3A_153, %max3A_154 : vector<1x1024xf32>
    %rsqrt3A_156 = math.rsqrt %max3A_155 : vector<1x1024xf32>
    %mul3A_157 = vector.broadcast %rsqrt3A_156 : vector<1x1024xf32> to vector<64x1024xf32>
    %mul3A_158 = arith.mulf %slice3A_147, %mul3A_157 : vector<64x1024xf32>
    %mul3A_159 = arith.mulf %slice3A_148, %slice3A_148 : vector<64x1024xf32>
    %reduce_sum3A_160 = arith.constant dense<0.000000e+00> : vector<1024xf32>
    %reduce_sum3A_161 = vector.multi_reduction <add>, %mul3A_159, %reduce_sum3A_160 [0] : vector<64x1024xf32> to vector<1024xf32>
    %broadcast_in_dim3A_162 = vector.shape_cast %reduce_sum3A_161 : vector<1024xf32> to vector<1x1024xf32>
    %max3A_163 = arith.constant 1.000000e-24 : f32
    %max3A_164 = vector.broadcast %max3A_163 : f32 to vector<1x1024xf32>
    %max3A_165 = arith.maximumf %broadcast_in_dim3A_162, %max3A_164 : vector<1x1024xf32>
    %rsqrt3A_166 = math.rsqrt %max3A_165 : vector<1x1024xf32>
    %mul3A_167 = vector.broadcast %rsqrt3A_166 : vector<1x1024xf32> to vector<64x1024xf32>
    %mul3A_168 = arith.mulf %slice3A_148, %mul3A_167 : vector<64x1024xf32>
    %transpose3A = tpu.transpose %mul3A_168, [1, 0] : vector<64x1024xf32> -> vector<1024x64xf32>
    %transpose3A_169 = tpu.transpose %slice3A_149, [1, 0] : vector<64x1024xf32> -> vector<1024x64xf32>
    %concatenate3A = tpu.concatenate %transpose3A, %transpose3A_169 in 1 : vector<1024x64xf32>, vector<1024x64xf32> -> vector<1024x128xf32>
    %swap3A_170 = arith.constant 0 : index
    %swap3A_171 = arith.constant 0 : index
    %swap3A_172 = arith.constant 0 : index
    %swap3A_173 = vector.load %arg10[%swap3A_170, %swap3A_171, %swap3A_172] : memref<1x8192x128xf32, #tpu.memory_space<vmem>>, vector<1x1024x128xf32>
    %swap3A_174 = vector.shape_cast %swap3A_173 : vector<1x1024x128xf32> to vector<1024x128xf32>
    %swap3A_175 = vector.shape_cast %concatenate3A : vector<1024x128xf32> to vector<1x1024x128xf32>
    tpu.vector_store %arg10[%swap3A_170, %swap3A_171, %swap3A_172], %swap3A_175 {strides = array<i32>} : memref<1x8192x128xf32, #tpu.memory_space<vmem>>, vector<1x1024x128xf32>,
    %abs3A = math.absf %mul3A_158 : vector<64x1024xf32>
    %reduce_sum3A_176 = arith.constant dense<0.000000e+00> : vector<64xf32>
    %reduce_sum3A_177 = vector.multi_reduction <add>, %abs3A, %reduce_sum3A_176 [1] : vector<64x1024xf32> to vector<64xf32>
    %broadcast_in_dim3A_178 = vector.shape_cast %reduce_sum3A_177 : vector<64xf32> to vector<64x1xf32>
    %abs3A_179 = math.absf %mul3A_168 : vector<64x1024xf32>
    %mul3A_180 = vector.broadcast %broadcast_in_dim3A_178 : vector<64x1xf32> to vector<64x1024xf32>
    %mul3A_181 = arith.mulf %abs3A_179, %mul3A_180 : vector<64x1024xf32>
    %reduce_sum3A_182 = arith.constant dense<0.000000e+00> : vector<1024xf32>
    %reduce_sum3A_183 = vector.multi_reduction <add>, %mul3A_181, %reduce_sum3A_182 [0] : vector<64x1024xf32> to vector<1024xf32>
    %broadcast_in_dim3A_184 = vector.shape_cast %reduce_sum3A_183 : vector<1024xf32> to vector<1x1024xf32>
    %dot_general3A_185 = arith.constant dense<0.000000e+00> : vector<1x32xf32>
    %dot_general3A_186 = tpu.matmul %broadcast_in_dim3A_184, %convert_element_type3A_108, %dot_general3A_185 {dimension_numbers = #tpu.dot_dimension_numbers<[1], [0], [0], [1], [0, 0, 1, 1], [], []>, transpose_lhs_hint = false} : vector<1x1024xf32>, vector<1024x32xf32>, vector<1x32xf32> -> vector<1x32xf32>
    %dot_general3A_187 = arith.constant dense<0.000000e+00> : vector<32x1xf32>
    %dot_general3A_188 = tpu.matmul %convert_element_type3A_108, %broadcast_in_dim3A_184, %dot_general3A_187 {dimension_numbers = #tpu.dot_dimension_numbers<[0], [1], [1], [0], [0, 1, 1, 0], [], []>, transpose_lhs_hint = false} : vector<1024x32xf32>, vector<1x1024xf32>, vector<32x1xf32> -> vector<32x1xf32>
    %broadcast_in_dim3A_189 = vector.shape_cast %dot_general3A_188 : vector<32x1xf32> to vector<32x1xf32>
    %broadcast_in_dim3A_190 = vector.broadcast %broadcast_in_dim3A_189 : vector<32x1xf32> to vector<32x32xf32>
    %broadcast_in_dim3A_191 = vector.shape_cast %dot_general3A_186 : vector<1x32xf32> to vector<1x32xf32>
    %broadcast_in_dim3A_192 = vector.broadcast %broadcast_in_dim3A_191 : vector<1x32xf32> to vector<32x32xf32>
    %gt3A = arith.cmpf ogt, %broadcast_in_dim3A_192, %broadcast_in_dim3A_190 : vector<32x32xf32>
    %eq3A_193 = arith.cmpf oeq, %broadcast_in_dim3A_192, %broadcast_in_dim3A_190 : vector<32x32xf32>
    %lt3A_194 = arith.cmpi slt, %iota3A_134, %iota3A_133 : vector<32x32xi32>
    %and3A_195 = arith.andi %eq3A_193, %lt3A_194 : vector<32x32xi1>
    %or3A = arith.ori %gt3A, %and3A_195 : vector<32x32xi1>
    %convert_element_type3A_196 = arith.extui %or3A : vector<32x32xi1> to vector<32x32xi32>
    %convert_element_type3A_197 = arith.sitofp %convert_element_type3A_196 : vector<32x32xi32> to vector<32x32xf32>
    %reduce_sum3A_198 = arith.constant dense<0.000000e+00> : vector<32xf32>
    %reduce_sum3A_199 = vector.multi_reduction <add>, %convert_element_type3A_197, %reduce_sum3A_198 [1] : vector<32x32xf32> to vector<32xf32>
    %broadcast_in_dim3A_200 = vector.shape_cast %reduce_sum3A_199 : vector<32xf32> to vector<32x1xf32>
    %lt3A_201 = arith.constant 1.600000e+01 : f32
    %lt3A_202 = vector.broadcast %lt3A_201 : f32 to vector<32x1xf32>
    %lt3A_203 = arith.cmpf olt, %broadcast_in_dim3A_200, %lt3A_202 : vector<32x1xf32>
    %convert_element_type3A_204 = arith.extui %lt3A_203 : vector<32x1xi1> to vector<32x1xi32>
    %convert_element_type3A_205 = arith.sitofp %convert_element_type3A_204 : vector<32x1xi32> to vector<32x1xf32>
    %dot_general3A_206 = arith.constant dense<0.000000e+00> : vector<32x1xf32>
    %dot_general3A_207 = tpu.matmul %convert_element_type3A_137, %convert_element_type3A_205, %dot_general3A_206 {dimension_numbers = #tpu.dot_dimension_numbers<[1], [0], [0], [1], [0, 0, 1, 1], [], []>, transpose_lhs_hint = false} : vector<32x32xf32>, vector<32x1xf32>, vector<32x1xf32> -> vector<32x1xf32>
    %broadcast_in_dim3A_208 = vector.shape_cast %dot_general3A_207 : vector<32x1xf32> to vector<32x1xf32>
    %broadcast_in_dim3A_209 = vector.broadcast %broadcast_in_dim3A_208 : vector<32x1xf32> to vector<32x16xf32>
    %eq3A_210 = arith.cmpf oeq, %broadcast_in_dim3A_209, %convert_element_type3A_146 : vector<32x16xf32>
    %convert_element_type3A_211 = arith.extui %eq3A_210 : vector<32x16xi1> to vector<32x16xi32>
    %convert_element_type3A_212 = arith.sitofp %convert_element_type3A_211 : vector<32x16xi32> to vector<32x16xf32>
    %mul3A_213 = vector.broadcast %convert_element_type3A_205 : vector<32x1xf32> to vector<32x16xf32>
    %mul3A_214 = arith.mulf %mul3A_213, %convert_element_type3A_212 : vector<32x16xf32>
    %dot_general3A_215 = arith.constant dense<0.000000e+00> : vector<16x1xf32>
    %dot_general3A_216 = tpu.matmul %mul3A_214, %convert_element_type3A_144, %dot_general3A_215 {dimension_numbers = #tpu.dot_dimension_numbers<[0], [0], [1], [1], [0, 1, 1, 1], [], []>, transpose_lhs_hint = false} : vector<32x16xf32>, vector<32x1xf32>, vector<16x1xf32> -> vector<16x1xf32>
    %dot_general3A_217 = arith.constant dense<0.000000e+00> : vector<1x32xf32>
    %dot_general3A_218 = tpu.matmul %broadcast_in_dim3A_184, %convert_element_type3A_132, %dot_general3A_217 {dimension_numbers = #tpu.dot_dimension_numbers<[1], [0], [0], [1], [0, 0, 1, 1], [], []>, transpose_lhs_hint = false} : vector<1x1024xf32>, vector<1024x32xf32>, vector<1x32xf32> -> vector<1x32xf32>
    %dot_general3A_219 = arith.constant dense<0.000000e+00> : vector<32x1xf32>
    %dot_general3A_220 = tpu.matmul %convert_element_type3A_132, %broadcast_in_dim3A_184, %dot_general3A_219 {dimension_numbers = #tpu.dot_dimension_numbers<[0], [1], [1], [0], [0, 1, 1, 0], [], []>, transpose_lhs_hint = false} : vector<1024x32xf32>, vector<1x1024xf32>, vector<32x1xf32> -> vector<32x1xf32>
    %broadcast_in_dim3A_221 = vector.shape_cast %dot_general3A_220 : vector<32x1xf32> to vector<32x1xf32>
    %broadcast_in_dim3A_222 = vector.broadcast %broadcast_in_dim3A_221 : vector<32x1xf32> to vector<32x32xf32>
    %broadcast_in_dim3A_223 = vector.shape_cast %dot_general3A_218 : vector<1x32xf32> to vector<1x32xf32>
    %broadcast_in_dim3A_224 = vector.broadcast %broadcast_in_dim3A_223 : vector<1x32xf32> to vector<32x32xf32>
    %gt3A_225 = arith.cmpf ogt, %broadcast_in_dim3A_224, %broadcast_in_dim3A_222 : vector<32x32xf32>
    %eq3A_226 = arith.cmpf oeq, %broadcast_in_dim3A_224, %broadcast_in_dim3A_222 : vector<32x32xf32>
    %lt3A_227 = arith.cmpi slt, %iota3A_134, %iota3A_133 : vector<32x32xi32>
    %and3A_228 = arith.andi %eq3A_226, %lt3A_227 : vector<32x32xi1>
    %or3A_229 = arith.ori %gt3A_225, %and3A_228 : vector<32x32xi1>
    %convert_element_type3A_230 = arith.extui %or3A_229 : vector<32x32xi1> to vector<32x32xi32>
    %convert_element_type3A_231 = arith.sitofp %convert_element_type3A_230 : vector<32x32xi32> to vector<32x32xf32>
    %reduce_sum3A_232 = arith.constant dense<0.000000e+00> : vector<32xf32>
    %reduce_sum3A_233 = vector.multi_reduction <add>, %convert_element_type3A_231, %reduce_sum3A_232 [1] : vector<32x32xf32> to vector<32xf32>
    %broadcast_in_dim3A_234 = vector.shape_cast %reduce_sum3A_233 : vector<32xf32> to vector<32x1xf32>
    %lt3A_235 = arith.constant 1.600000e+01 : f32
    %lt3A_236 = vector.broadcast %lt3A_235 : f32 to vector<32x1xf32>
    %lt3A_237 = arith.cmpf olt, %broadcast_in_dim3A_234, %lt3A_236 : vector<32x1xf32>
    %convert_element_type3A_238 = arith.extui %lt3A_237 : vector<32x1xi1> to vector<32x1xi32>
    %convert_element_type3A_239 = arith.sitofp %convert_element_type3A_238 : vector<32x1xi32> to vector<32x1xf32>
    %dot_general3A_240 = arith.constant dense<0.000000e+00> : vector<32x1xf32>
    %dot_general3A_241 = tpu.matmul %convert_element_type3A_137, %convert_element_type3A_239, %dot_general3A_240 {dimension_numbers = #tpu.dot_dimension_numbers<[1], [0], [0], [1], [0, 0, 1, 1], [], []>, transpose_lhs_hint = false} : vector<32x32xf32>, vector<32x1xf32>, vector<32x1xf32> -> vector<32x1xf32>
    %broadcast_in_dim3A_242 = vector.shape_cast %dot_general3A_241 : vector<32x1xf32> to vector<32x1xf32>
    %broadcast_in_dim3A_243 = vector.broadcast %broadcast_in_dim3A_242 : vector<32x1xf32> to vector<32x16xf32>
    %eq3A_244 = arith.cmpf oeq, %broadcast_in_dim3A_243, %convert_element_type3A_146 : vector<32x16xf32>
    %convert_element_type3A_245 = arith.extui %eq3A_244 : vector<32x16xi1> to vector<32x16xi32>
    %convert_element_type3A_246 = arith.sitofp %convert_element_type3A_245 : vector<32x16xi32> to vector<32x16xf32>
    %mul3A_247 = vector.broadcast %convert_element_type3A_239 : vector<32x1xf32> to vector<32x16xf32>
    %mul3A_248 = arith.mulf %mul3A_247, %convert_element_type3A_246 : vector<32x16xf32>
    %dot_general3A_249 = arith.constant dense<0.000000e+00> : vector<16x1xf32>
    %dot_general3A_250 = tpu.matmul %mul3A_248, %convert_element_type3A_144, %dot_general3A_249 {dimension_numbers = #tpu.dot_dimension_numbers<[0], [0], [1], [1], [0, 1, 1, 1], [], []>, transpose_lhs_hint = false} : vector<32x16xf32>, vector<32x1xf32>, vector<16x1xf32> -> vector<16x1xf32>
    %dot_general3A_251 = arith.constant dense<0.000000e+00> : vector<1x16xf32>
    %dot_general3A_252 = tpu.matmul %dot_general3A_250, %convert_element_type3A_142, %dot_general3A_251 {dimension_numbers = #tpu.dot_dimension_numbers<[0], [0], [1], [1], [0, 1, 1, 1], [], []>, transpose_lhs_hint = false} : vector<16x1xf32>, vector<16x16xf32>, vector<1x16xf32> -> vector<1x16xf32>
    %mul3A_253 = arith.constant 3.200000e+01 : f32
    %mul3A_254 = vector.broadcast %mul3A_253 : f32 to vector<16x1xf32>
    %mul3A_255 = arith.mulf %dot_general3A_216, %mul3A_254 : vector<16x1xf32>
    %broadcast_in_dim3A_256 = vector.shape_cast %dot_general3A_252 : vector<1x16xf32> to vector<1x16xf32>
    %broadcast_in_dim3A_257 = vector.broadcast %broadcast_in_dim3A_256 : vector<1x16xf32> to vector<16x16xf32>
    %add3A_258 = vector.broadcast %mul3A_255 : vector<16x1xf32> to vector<16x16xf32>
    %add3A_259 = arith.addf %add3A_258, %broadcast_in_dim3A_257 : vector<16x16xf32>
    %mul3A_260 = arith.constant 8 : i32
    %mul3A_261 = arith.muli %arg0, %mul3A_260 : i32
    %add3A_262 = arith.constant 0 : i32
    %add3A_263 = arith.addi %mul3A_261, %add3A_262 : i32
    %mul3A_264 = arith.constant 1024 : i32
    %mul3A_265 = arith.muli %add3A_263, %mul3A_264 : i32
    %convert_element_type3A_266 = arith.fptosi %add3A_259 : vector<16x16xf32> to vector<16x16xi32>
    %add3A_267 = vector.broadcast %mul3A_265 : i32 to vector<16x16xi32>
    %add3A_268 = arith.addi %convert_element_type3A_266, %add3A_267 : vector<16x16xi32>
    %slice3A_269 = vector.extract_strided_slice %dot_general3A_80 {offsets = [64, 0], sizes = [64, 1024], strides = [1, 1]} : vector<512x1024xf32> to vector<64x1024xf32>
    %slice3A_270 = vector.extract_strided_slice %slice3A {offsets = [64, 0], sizes = [64, 1024], strides = [1, 1]} : vector<512x1024xf32> to vector<64x1024xf32>
    %slice3A_271 = vector.extract_strided_slice %slice3A_81 {offsets = [64, 0], sizes = [64, 1024], strides = [1, 1]} : vector<512x1024xf32> to vector<64x1024xf32>
    %mul3A_272 = arith.mulf %slice3A_269, %slice3A_269 : vector<64x1024xf32>
    %reduce_sum3A_273 = arith.constant dense<0.000000e+00> : vector<1024xf32>
    %reduce_sum3A_274 = vector.multi_reduction <add>, %mul3A_272, %reduce_sum3A_273 [0] : vector<64x1024xf32> to vector<1024xf32>
    %broadcast_in_dim3A_275 = vector.shape_cast %reduce_sum3A_274 : vector<1024xf32> to vector<1x1024xf32>
    %max3A_276 = arith.constant 1.000000e-24 : f32
    %max3A_277 = vector.broadcast %max3A_276 : f32 to vector<1x1024xf32>
    %max3A_278 = arith.maximumf %broadcast_in_dim3A_275, %max3A_277 : vector<1x1024xf32>
    %rsqrt3A_279 = math.rsqrt %max3A_278 : vector<1x1024xf32>
    %mul3A_280 = vector.broadcast %rsqrt3A_279 : vector<1x1024xf32> to vector<64x1024xf32>
    %mul3A_281 = arith.mulf %slice3A_269, %mul3A_280 : vector<64x1024xf32>
    %mul3A_282 = arith.mulf %slice3A_270, %slice3A_270 : vector<64x1024xf32>
    %reduce_sum3A_283 = arith.constant dense<0.000000e+00> : vector<1024xf32>
    %reduce_sum3A_284 = vector.multi_reduction <add>, %mul3A_282, %reduce_sum3A_283 [0] : vector<64x1024xf32> to vector<1024xf32>
    %broadcast_in_dim3A_285 = vector.shape_cast %reduce_sum3A_284 : vector<1024xf32> to vector<1x1024xf32>
    %max3A_286 = arith.constant 1.000000e-24 : f32
    %max3A_287 = vector.broadcast %max3A_286 : f32 to vector<1x1024xf32>
    %max3A_288 = arith.maximumf %broadcast_in_dim3A_285, %max3A_287 : vector<1x1024xf32>
    %rsqrt3A_289 = math.rsqrt %max3A_288 : vector<1x1024xf32>
    %mul3A_290 = vector.broadcast %rsqrt3A_289 : vector<1x1024xf32> to vector<64x1024xf32>
    %mul3A_291 = arith.mulf %slice3A_270, %mul3A_290 : vector<64x1024xf32>
    %transpose3A_292 = tpu.transpose %mul3A_291, [1, 0] : vector<64x1024xf32> -> vector<1024x64xf32>
    %transpose3A_293 = tpu.transpose %slice3A_271, [1, 0] : vector<64x1024xf32> -> vector<1024x64xf32>
    %concatenate3A_294 = tpu.concatenate %transpose3A_292, %transpose3A_293 in 1 : vector<1024x64xf32>, vector<1024x64xf32> -> vector<1024x128xf32>
    %swap3A_295 = arith.constant 0 : index
    %swap3A_296 = arith.constant 1024 : index
    %swap3A_297 = arith.constant 0 : index
    %swap3A_298 = vector.load %arg10[%swap3A_295, %swap3A_296, %swap3A_297] : memref<1x8192x128xf32, #tpu.memory_space<vmem>>, vector<1x1024x128xf32>
    %swap3A_299 = vector.shape_cast %swap3A_298 : vector<1x1024x128xf32> to vector<1024x128xf32>
    %swap3A_300 = vector.shape_cast %concatenate3A_294 : vector<1024x128xf32> to vector<1x1024x128xf32>
    tpu.vector_store %arg10[%swap3A_295, %swap3A_296, %swap3A_297], %swap3A_300 {strides = array<i32>} : memref<1x8192x128xf32, #tpu.memory_space<vmem>>, vector<1x1024x128xf32>,
    %abs3A_301 = math.absf %mul3A_281 : vector<64x1024xf32>
    %reduce_sum3A_302 = arith.constant dense<0.000000e+00> : vector<64xf32>
    %reduce_sum3A_303 = vector.multi_reduction <add>, %abs3A_301, %reduce_sum3A_302 [1] : vector<64x1024xf32> to vector<64xf32>
    %broadcast_in_dim3A_304 = vector.shape_cast %reduce_sum3A_303 : vector<64xf32> to vector<64x1xf32>
    %abs3A_305 = math.absf %mul3A_291 : vector<64x1024xf32>
    %mul3A_306 = vector.broadcast %broadcast_in_dim3A_304 : vector<64x1xf32> to vector<64x1024xf32>
    %mul3A_307 = arith.mulf %abs3A_305, %mul3A_306 : vector<64x1024xf32>
    %reduce_sum3A_308 = arith.constant dense<0.000000e+00> : vector<1024xf32>
    %reduce_sum3A_309 = vector.multi_reduction <add>, %mul3A_307, %reduce_sum3A_308 [0] : vector<64x1024xf32> to vector<1024xf32>
    %broadcast_in_dim3A_310 = vector.shape_cast %reduce_sum3A_309 : vector<1024xf32> to vector<1x1024xf32>
    %dot_general3A_311 = arith.constant dense<0.000000e+00> : vector<1x32xf32>
    %dot_general3A_312 = tpu.matmul %broadcast_in_dim3A_310, %convert_element_type3A_108, %dot_general3A_311 {dimension_numbers = #tpu.dot_dimension_numbers<[1], [0], [0], [1], [0, 0, 1, 1], [], []>, transpose_lhs_hint = false} : vector<1x1024xf32>, vector<1024x32xf32>, vector<1x32xf32> -> vector<1x32xf32>
    %dot_general3A_313 = arith.constant dense<0.000000e+00> : vector<32x1xf32>
    %dot_general3A_314 = tpu.matmul %convert_element_type3A_108, %broadcast_in_dim3A_310, %dot_general3A_313 {dimension_numbers = #tpu.dot_dimension_numbers<[0], [1], [1], [0], [0, 1, 1, 0], [], []>, transpose_lhs_hint = false} : vector<1024x32xf32>, vector<1x1024xf32>, vector<32x1xf32> -> vector<32x1xf32>
    %broadcast_in_dim3A_315 = vector.shape_cast %dot_general3A_314 : vector<32x1xf32> to vector<32x1xf32>
    %broadcast_in_dim3A_316 = vector.broadcast %broadcast_in_dim3A_315 : vector<32x1xf32> to vector<32x32xf32>
    %broadcast_in_dim3A_317 = vector.shape_cast %dot_general3A_312 : vector<1x32xf32> to vector<1x32xf32>
    %broadcast_in_dim3A_318 = vector.broadcast %broadcast_in_dim3A_317 : vector<1x32xf32> to vector<32x32xf32>
    %gt3A_319 = arith.cmpf ogt, %broadcast_in_dim3A_318, %broadcast_in_dim3A_316 : vector<32x32xf32>
    %eq3A_320 = arith.cmpf oeq, %broadcast_in_dim3A_318, %broadcast_in_dim3A_316 : vector<32x32xf32>
    %lt3A_321 = arith.cmpi slt, %iota3A_134, %iota3A_133 : vector<32x32xi32>
    %and3A_322 = arith.andi %eq3A_320, %lt3A_321 : vector<32x32xi1>
    %or3A_323 = arith.ori %gt3A_319, %and3A_322 : vector<32x32xi1>
    %convert_element_type3A_324 = arith.extui %or3A_323 : vector<32x32xi1> to vector<32x32xi32>
    %convert_element_type3A_325 = arith.sitofp %convert_element_type3A_324 : vector<32x32xi32> to vector<32x32xf32>
    %reduce_sum3A_326 = arith.constant dense<0.000000e+00> : vector<32xf32>
    %reduce_sum3A_327 = vector.multi_reduction <add>, %convert_element_type3A_325, %reduce_sum3A_326 [1] : vector<32x32xf32> to vector<32xf32>
    %broadcast_in_dim3A_328 = vector.shape_cast %reduce_sum3A_327 : vector<32xf32> to vector<32x1xf32>
    %lt3A_329 = arith.constant 1.600000e+01 : f32
    %lt3A_330 = vector.broadcast %lt3A_329 : f32 to vector<32x1xf32>
    %lt3A_331 = arith.cmpf olt, %broadcast_in_dim3A_328, %lt3A_330 : vector<32x1xf32>
    %convert_element_type3A_332 = arith.extui %lt3A_331 : vector<32x1xi1> to vector<32x1xi32>
    %convert_element_type3A_333 = arith.sitofp %convert_element_type3A_332 : vector<32x1xi32> to vector<32x1xf32>
    %dot_general3A_334 = arith.constant dense<0.000000e+00> : vector<32x1xf32>
    %dot_general3A_335 = tpu.matmul %convert_element_type3A_137, %convert_element_type3A_333, %dot_general3A_334 {dimension_numbers = #tpu.dot_dimension_numbers<[1], [0], [0], [1], [0, 0, 1, 1], [], []>, transpose_lhs_hint = false} : vector<32x32xf32>, vector<32x1xf32>, vector<32x1xf32> -> vector<32x1xf32>
    %broadcast_in_dim3A_336 = vector.shape_cast %dot_general3A_335 : vector<32x1xf32> to vector<32x1xf32>
    %broadcast_in_dim3A_337 = vector.broadcast %broadcast_in_dim3A_336 : vector<32x1xf32> to vector<32x16xf32>
    %eq3A_338 = arith.cmpf oeq, %broadcast_in_dim3A_337, %convert_element_type3A_146 : vector<32x16xf32>
    %convert_element_type3A_339 = arith.extui %eq3A_338 : vector<32x16xi1> to vector<32x16xi32>
    %convert_element_type3A_340 = arith.sitofp %convert_element_type3A_339 : vector<32x16xi32> to vector<32x16xf32>
    %mul3A_341 = vector.broadcast %convert_element_type3A_333 : vector<32x1xf32> to vector<32x16xf32>
    %mul3A_342 = arith.mulf %mul3A_341, %convert_element_type3A_340 : vector<32x16xf32>
    %dot_general3A_343 = arith.constant dense<0.000000e+00> : vector<16x1xf32>
    %dot_general3A_344 = tpu.matmul %mul3A_342, %convert_element_type3A_144, %dot_general3A_343 {dimension_numbers = #tpu.dot_dimension_numbers<[0], [0], [1], [1], [0, 1, 1, 1], [], []>, transpose_lhs_hint = false} : vector<32x16xf32>, vector<32x1xf32>, vector<16x1xf32> -> vector<16x1xf32>
    %dot_general3A_345 = arith.constant dense<0.000000e+00> : vector<1x32xf32>
    %dot_general3A_346 = tpu.matmul %broadcast_in_dim3A_310, %convert_element_type3A_132, %dot_general3A_345 {dimension_numbers = #tpu.dot_dimension_numbers<[1], [0], [0], [1], [0, 0, 1, 1], [], []>, transpose_lhs_hint = false} : vector<1x1024xf32>, vector<1024x32xf32>, vector<1x32xf32> -> vector<1x32xf32>
    %dot_general3A_347 = arith.constant dense<0.000000e+00> : vector<32x1xf32>
    %dot_general3A_348 = tpu.matmul %convert_element_type3A_132, %broadcast_in_dim3A_310, %dot_general3A_347 {dimension_numbers = #tpu.dot_dimension_numbers<[0], [1], [1], [0], [0, 1, 1, 0], [], []>, transpose_lhs_hint = false} : vector<1024x32xf32>, vector<1x1024xf32>, vector<32x1xf32> -> vector<32x1xf32>
    %broadcast_in_dim3A_349 = vector.shape_cast %dot_general3A_348 : vector<32x1xf32> to vector<32x1xf32>
    %broadcast_in_dim3A_350 = vector.broadcast %broadcast_in_dim3A_349 : vector<32x1xf32> to vector<32x32xf32>
    %broadcast_in_dim3A_351 = vector.shape_cast %dot_general3A_346 : vector<1x32xf32> to vector<1x32xf32>
    %broadcast_in_dim3A_352 = vector.broadcast %broadcast_in_dim3A_351 : vector<1x32xf32> to vector<32x32xf32>
    %gt3A_353 = arith.cmpf ogt, %broadcast_in_dim3A_352, %broadcast_in_dim3A_350 : vector<32x32xf32>
    %eq3A_354 = arith.cmpf oeq, %broadcast_in_dim3A_352, %broadcast_in_dim3A_350 : vector<32x32xf32>
    %lt3A_355 = arith.cmpi slt, %iota3A_134, %iota3A_133 : vector<32x32xi32>
    %and3A_356 = arith.andi %eq3A_354, %lt3A_355 : vector<32x32xi1>
    %or3A_357 = arith.ori %gt3A_353, %and3A_356 : vector<32x32xi1>
    %convert_element_type3A_358 = arith.extui %or3A_357 : vector<32x32xi1> to vector<32x32xi32>
    %convert_element_type3A_359 = arith.sitofp %convert_element_type3A_358 : vector<32x32xi32> to vector<32x32xf32>
    %reduce_sum3A_360 = arith.constant dense<0.000000e+00> : vector<32xf32>
    %reduce_sum3A_361 = vector.multi_reduction <add>, %convert_element_type3A_359, %reduce_sum3A_360 [1] : vector<32x32xf32> to vector<32xf32>
    %broadcast_in_dim3A_362 = vector.shape_cast %reduce_sum3A_361 : vector<32xf32> to vector<32x1xf32>
    %lt3A_363 = arith.constant 1.600000e+01 : f32
    %lt3A_364 = vector.broadcast %lt3A_363 : f32 to vector<32x1xf32>
    %lt3A_365 = arith.cmpf olt, %broadcast_in_dim3A_362, %lt3A_364 : vector<32x1xf32>
    %convert_element_type3A_366 = arith.extui %lt3A_365 : vector<32x1xi1> to vector<32x1xi32>
    %convert_element_type3A_367 = arith.sitofp %convert_element_type3A_366 : vector<32x1xi32> to vector<32x1xf32>
    %dot_general3A_368 = arith.constant dense<0.000000e+00> : vector<32x1xf32>
    %dot_general3A_369 = tpu.matmul %convert_element_type3A_137, %convert_element_type3A_367, %dot_general3A_368 {dimension_numbers = #tpu.dot_dimension_numbers<[1], [0], [0], [1], [0, 0, 1, 1], [], []>, transpose_lhs_hint = false} : vector<32x32xf32>, vector<32x1xf32>, vector<32x1xf32> -> vector<32x1xf32>
    %broadcast_in_dim3A_370 = vector.shape_cast %dot_general3A_369 : vector<32x1xf32> to vector<32x1xf32>
    %broadcast_in_dim3A_371 = vector.broadcast %broadcast_in_dim3A_370 : vector<32x1xf32> to vector<32x16xf32>
    %eq3A_372 = arith.cmpf oeq, %broadcast_in_dim3A_371, %convert_element_type3A_146 : vector<32x16xf32>
    %convert_element_type3A_373 = arith.extui %eq3A_372 : vector<32x16xi1> to vector<32x16xi32>
    %convert_element_type3A_374 = arith.sitofp %convert_element_type3A_373 : vector<32x16xi32> to vector<32x16xf32>
    %mul3A_375 = vector.broadcast %convert_element_type3A_367 : vector<32x1xf32> to vector<32x16xf32>
    %mul3A_376 = arith.mulf %mul3A_375, %convert_element_type3A_374 : vector<32x16xf32>
    %dot_general3A_377 = arith.constant dense<0.000000e+00> : vector<16x1xf32>
    %dot_general3A_378 = tpu.matmul %mul3A_376, %convert_element_type3A_144, %dot_general3A_377 {dimension_numbers = #tpu.dot_dimension_numbers<[0], [0], [1], [1], [0, 1, 1, 1], [], []>, transpose_lhs_hint = false} : vector<32x16xf32>, vector<32x1xf32>, vector<16x1xf32> -> vector<16x1xf32>
    %dot_general3A_379 = arith.constant dense<0.000000e+00> : vector<1x16xf32>
    %dot_general3A_380 = tpu.matmul %dot_general3A_378, %convert_element_type3A_142, %dot_general3A_379 {dimension_numbers = #tpu.dot_dimension_numbers<[0], [0], [1], [1], [0, 1, 1, 1], [], []>, transpose_lhs_hint = false} : vector<16x1xf32>, vector<16x16xf32>, vector<1x16xf32> -> vector<1x16xf32>
    %mul3A_381 = arith.constant 3.200000e+01 : f32
    %mul3A_382 = vector.broadcast %mul3A_381 : f32 to vector<16x1xf32>
    %mul3A_383 = arith.mulf %dot_general3A_344, %mul3A_382 : vector<16x1xf32>
    %broadcast_in_dim3A_384 = vector.shape_cast %dot_general3A_380 : vector<1x16xf32> to vector<1x16xf32>
    %broadcast_in_dim3A_385 = vector.broadcast %broadcast_in_dim3A_384 : vector<1x16xf32> to vector<16x16xf32>
    %add3A_386 = vector.broadcast %mul3A_383 : vector<16x1xf32> to vector<16x16xf32>
    %add3A_387 = arith.addf %add3A_386, %broadcast_in_dim3A_385 : vector<16x16xf32>
    %mul3A_388 = arith.constant 8 : i32
    %mul3A_389 = arith.muli %arg0, %mul3A_388 : i32
    %add3A_390 = arith.constant 1 : i32
    %add3A_391 = arith.addi %mul3A_389, %add3A_390 : i32
    %mul3A_392 = arith.constant 1024 : i32
    %mul3A_393 = arith.muli %add3A_391, %mul3A_392 : i32
    %convert_element_type3A_394 = arith.fptosi %add3A_387 : vector<16x16xf32> to vector<16x16xi32>
    %add3A_395 = vector.broadcast %mul3A_393 : i32 to vector<16x16xi32>
    %add3A_396 = arith.addi %convert_element_type3A_394, %add3A_395 : vector<16x16xi32>
    %slice3A_397 = vector.extract_strided_slice %dot_general3A_80 {offsets = [128, 0], sizes = [64, 1024], strides = [1, 1]} : vector<512x1024xf32> to vector<64x1024xf32>
    %slice3A_398 = vector.extract_strided_slice %slice3A {offsets = [128, 0], sizes = [64, 1024], strides = [1, 1]} : vector<512x1024xf32> to vector<64x1024xf32>
    %slice3A_399 = vector.extract_strided_slice %slice3A_81 {offsets = [128, 0], sizes = [64, 1024], strides = [1, 1]} : vector<512x1024xf32> to vector<64x1024xf32>
    %mul3A_400 = arith.mulf %slice3A_397, %slice3A_397 : vector<64x1024xf32>
    %reduce_sum3A_401 = arith.constant dense<0.000000e+00> : vector<1024xf32>
    %reduce_sum3A_402 = vector.multi_reduction <add>, %mul3A_400, %reduce_sum3A_401 [0] : vector<64x1024xf32> to vector<1024xf32>
    %broadcast_in_dim3A_403 = vector.shape_cast %reduce_sum3A_402 : vector<1024xf32> to vector<1x1024xf32>
    %max3A_404 = arith.constant 1.000000e-24 : f32
    %max3A_405 = vector.broadcast %max3A_404 : f32 to vector<1x1024xf32>
    %max3A_406 = arith.maximumf %broadcast_in_dim3A_403, %max3A_405 : vector<1x1024xf32>
    %rsqrt3A_407 = math.rsqrt %max3A_406 : vector<1x1024xf32>
    %mul3A_408 = vector.broadcast %rsqrt3A_407 : vector<1x1024xf32> to vector<64x1024xf32>
    %mul3A_409 = arith.mulf %slice3A_397, %mul3A_408 : vector<64x1024xf32>
    %mul3A_410 = arith.mulf %slice3A_398, %slice3A_398 : vector<64x1024xf32>
    %reduce_sum3A_411 = arith.constant dense<0.000000e+00> : vector<1024xf32>
    %reduce_sum3A_412 = vector.multi_reduction <add>, %mul3A_410, %reduce_sum3A_411 [0] : vector<64x1024xf32> to vector<1024xf32>
    %broadcast_in_dim3A_413 = vector.shape_cast %reduce_sum3A_412 : vector<1024xf32> to vector<1x1024xf32>
    %max3A_414 = arith.constant 1.000000e-24 : f32
    %max3A_415 = vector.broadcast %max3A_414 : f32 to vector<1x1024xf32>
    %max3A_416 = arith.maximumf %broadcast_in_dim3A_413, %max3A_415 : vector<1x1024xf32>
    %rsqrt3A_417 = math.rsqrt %max3A_416 : vector<1x1024xf32>
    %mul3A_418 = vector.broadcast %rsqrt3A_417 : vector<1x1024xf32> to vector<64x1024xf32>
    %mul3A_419 = arith.mulf %slice3A_398, %mul3A_418 : vector<64x1024xf32>
    %transpose3A_420 = tpu.transpose %mul3A_419, [1, 0] : vector<64x1024xf32> -> vector<1024x64xf32>
    %transpose3A_421 = tpu.transpose %slice3A_399, [1, 0] : vector<64x1024xf32> -> vector<1024x64xf32>
    %concatenate3A_422 = tpu.concatenate %transpose3A_420, %transpose3A_421 in 1 : vector<1024x64xf32>, vector<1024x64xf32> -> vector<1024x128xf32>
    %swap3A_423 = arith.constant 0 : index
    %swap3A_424 = arith.constant 2048 : index
    %swap3A_425 = arith.constant 0 : index
    %swap3A_426 = vector.load %arg10[%swap3A_423, %swap3A_424, %swap3A_425] : memref<1x8192x128xf32, #tpu.memory_space<vmem>>, vector<1x1024x128xf32>
    %swap3A_427 = vector.shape_cast %swap3A_426 : vector<1x1024x128xf32> to vector<1024x128xf32>
    %swap3A_428 = vector.shape_cast %concatenate3A_422 : vector<1024x128xf32> to vector<1x1024x128xf32>
    tpu.vector_store %arg10[%swap3A_423, %swap3A_424, %swap3A_425], %swap3A_428 {strides = array<i32>} : memref<1x8192x128xf32, #tpu.memory_space<vmem>>, vector<1x1024x128xf32>,
    %abs3A_429 = math.absf %mul3A_409 : vector<64x1024xf32>
    %reduce_sum3A_430 = arith.constant dense<0.000000e+00> : vector<64xf32>
    %reduce_sum3A_431 = vector.multi_reduction <add>, %abs3A_429, %reduce_sum3A_430 [1] : vector<64x1024xf32> to vector<64xf32>
    %broadcast_in_dim3A_432 = vector.shape_cast %reduce_sum3A_431 : vector<64xf32> to vector<64x1xf32>
    %abs3A_433 = math.absf %mul3A_419 : vector<64x1024xf32>
    %mul3A_434 = vector.broadcast %broadcast_in_dim3A_432 : vector<64x1xf32> to vector<64x1024xf32>
    %mul3A_435 = arith.mulf %abs3A_433, %mul3A_434 : vector<64x1024xf32>
    %reduce_sum3A_436 = arith.constant dense<0.000000e+00> : vector<1024xf32>
    %reduce_sum3A_437 = vector.multi_reduction <add>, %mul3A_435, %reduce_sum3A_436 [0] : vector<64x1024xf32> to vector<1024xf32>
    %broadcast_in_dim3A_438 = vector.shape_cast %reduce_sum3A_437 : vector<1024xf32> to vector<1x1024xf32>
    %dot_general3A_439 = arith.constant dense<0.000000e+00> : vector<1x32xf32>
    %dot_general3A_440 = tpu.matmul %broadcast_in_dim3A_438, %convert_element_type3A_108, %dot_general3A_439 {dimension_numbers = #tpu.dot_dimension_numbers<[1], [0], [0], [1], [0, 0, 1, 1], [], []>, transpose_lhs_hint = false} : vector<1x1024xf32>, vector<1024x32xf32>, vector<1x32xf32> -> vector<1x32xf32>
    %dot_general3A_441 = arith.constant dense<0.000000e+00> : vector<32x1xf32>
    %dot_general3A_442 = tpu.matmul %convert_element_type3A_108, %broadcast_in_dim3A_438, %dot_general3A_441 {dimension_numbers = #tpu.dot_dimension_numbers<[0], [1], [1], [0], [0, 1, 1, 0], [], []>, transpose_lhs_hint = false} : vector<1024x32xf32>, vector<1x1024xf32>, vector<32x1xf32> -> vector<32x1xf32>
    %broadcast_in_dim3A_443 = vector.shape_cast %dot_general3A_442 : vector<32x1xf32> to vector<32x1xf32>
    %broadcast_in_dim3A_444 = vector.broadcast %broadcast_in_dim3A_443 : vector<32x1xf32> to vector<32x32xf32>
    %broadcast_in_dim3A_445 = vector.shape_cast %dot_general3A_440 : vector<1x32xf32> to vector<1x32xf32>
    %broadcast_in_dim3A_446 = vector.broadcast %broadcast_in_dim3A_445 : vector<1x32xf32> to vector<32x32xf32>
    %gt3A_447 = arith.cmpf ogt, %broadcast_in_dim3A_446, %broadcast_in_dim3A_444 : vector<32x32xf32>
    %eq3A_448 = arith.cmpf oeq, %broadcast_in_dim3A_446, %broadcast_in_dim3A_444 : vector<32x32xf32>
    %lt3A_449 = arith.cmpi slt, %iota3A_134, %iota3A_133 : vector<32x32xi32>
    %and3A_450 = arith.andi %eq3A_448, %lt3A_449 : vector<32x32xi1>
    %or3A_451 = arith.ori %gt3A_447, %and3A_450 : vector<32x32xi1>
    %convert_element_type3A_452 = arith.extui %or3A_451 : vector<32x32xi1> to vector<32x32xi32>
    %convert_element_type3A_453 = arith.sitofp %convert_element_type3A_452 : vector<32x32xi32> to vector<32x32xf32>
    %reduce_sum3A_454 = arith.constant dense<0.000000e+00> : vector<32xf32>
    %reduce_sum3A_455 = vector.multi_reduction <add>, %convert_element_type3A_453, %reduce_sum3A_454 [1] : vector<32x32xf32> to vector<32xf32>
    %broadcast_in_dim3A_456 = vector.shape_cast %reduce_sum3A_455 : vector<32xf32> to vector<32x1xf32>
    %lt3A_457 = arith.constant 1.600000e+01 : f32
    %lt3A_458 = vector.broadcast %lt3A_457 : f32 to vector<32x1xf32>
    %lt3A_459 = arith.cmpf olt, %broadcast_in_dim3A_456, %lt3A_458 : vector<32x1xf32>
    %convert_element_type3A_460 = arith.extui %lt3A_459 : vector<32x1xi1> to vector<32x1xi32>
    %convert_element_type3A_461 = arith.sitofp %convert_element_type3A_460 : vector<32x1xi32> to vector<32x1xf32>
    %dot_general3A_462 = arith.constant dense<0.000000e+00> : vector<32x1xf32>
    %dot_general3A_463 = tpu.matmul %convert_element_type3A_137, %convert_element_type3A_461, %dot_general3A_462 {dimension_numbers = #tpu.dot_dimension_numbers<[1], [0], [0], [1], [0, 0, 1, 1], [], []>, transpose_lhs_hint = false} : vector<32x32xf32>, vector<32x1xf32>, vector<32x1xf32> -> vector<32x1xf32>
    %broadcast_in_dim3A_464 = vector.shape_cast %dot_general3A_463 : vector<32x1xf32> to vector<32x1xf32>
    %broadcast_in_dim3A_465 = vector.broadcast %broadcast_in_dim3A_464 : vector<32x1xf32> to vector<32x16xf32>
    %eq3A_466 = arith.cmpf oeq, %broadcast_in_dim3A_465, %convert_element_type3A_146 : vector<32x16xf32>
    %convert_element_type3A_467 = arith.extui %eq3A_466 : vector<32x16xi1> to vector<32x16xi32>
    %convert_element_type3A_468 = arith.sitofp %convert_element_type3A_467 : vector<32x16xi32> to vector<32x16xf32>
    %mul3A_469 = vector.broadcast %convert_element_type3A_461 : vector<32x1xf32> to vector<32x16xf32>
    %mul3A_470 = arith.mulf %mul3A_469, %convert_element_type3A_468 : vector<32x16xf32>
    %dot_general3A_471 = arith.constant dense<0.000000e+00> : vector<16x1xf32>
    %dot_general3A_472 = tpu.matmul %mul3A_470, %convert_element_type3A_144, %dot_general3A_471 {dimension_numbers = #tpu.dot_dimension_numbers<[0], [0], [1], [1], [0, 1, 1, 1], [], []>, transpose_lhs_hint = false} : vector<32x16xf32>, vector<32x1xf32>, vector<16x1xf32> -> vector<16x1xf32>
    %dot_general3A_473 = arith.constant dense<0.000000e+00> : vector<1x32xf32>
    %dot_general3A_474 = tpu.matmul %broadcast_in_dim3A_438, %convert_element_type3A_132, %dot_general3A_473 {dimension_numbers = #tpu.dot_dimension_numbers<[1], [0], [0], [1], [0, 0, 1, 1], [], []>, transpose_lhs_hint = false} : vector<1x1024xf32>, vector<1024x32xf32>, vector<1x32xf32> -> vector<1x32xf32>
    %dot_general3A_475 = arith.constant dense<0.000000e+00> : vector<32x1xf32>
    %dot_general3A_476 = tpu.matmul %convert_element_type3A_132, %broadcast_in_dim3A_438, %dot_general3A_475 {dimension_numbers = #tpu.dot_dimension_numbers<[0], [1], [1], [0], [0, 1, 1, 0], [], []>, transpose_lhs_hint = false} : vector<1024x32xf32>, vector<1x1024xf32>, vector<32x1xf32> -> vector<32x1xf32>
    %broadcast_in_dim3A_477 = vector.shape_cast %dot_general3A_476 : vector<32x1xf32> to vector<32x1xf32>
    %broadcast_in_dim3A_478 = vector.broadcast %broadcast_in_dim3A_477 : vector<32x1xf32> to vector<32x32xf32>
    %broadcast_in_dim3A_479 = vector.shape_cast %dot_general3A_474 : vector<1x32xf32> to vector<1x32xf32>
    %broadcast_in_dim3A_480 = vector.broadcast %broadcast_in_dim3A_479 : vector<1x32xf32> to vector<32x32xf32>
    %gt3A_481 = arith.cmpf ogt, %broadcast_in_dim3A_480, %broadcast_in_dim3A_478 : vector<32x32xf32>
    %eq3A_482 = arith.cmpf oeq, %broadcast_in_dim3A_480, %broadcast_in_dim3A_478 : vector<32x32xf32>
    %lt3A_483 = arith.cmpi slt, %iota3A_134, %iota3A_133 : vector<32x32xi32>
    %and3A_484 = arith.andi %eq3A_482, %lt3A_483 : vector<32x32xi1>
    %or3A_485 = arith.ori %gt3A_481, %and3A_484 : vector<32x32xi1>
    %convert_element_type3A_486 = arith.extui %or3A_485 : vector<32x32xi1> to vector<32x32xi32>
    %convert_element_type3A_487 = arith.sitofp %convert_element_type3A_486 : vector<32x32xi32> to vector<32x32xf32>
    %reduce_sum3A_488 = arith.constant dense<0.000000e+00> : vector<32xf32>
    %reduce_sum3A_489 = vector.multi_reduction <add>, %convert_element_type3A_487, %reduce_sum3A_488 [1] : vector<32x32xf32> to vector<32xf32>
    %broadcast_in_dim3A_490 = vector.shape_cast %reduce_sum3A_489 : vector<32xf32> to vector<32x1xf32>
    %lt3A_491 = arith.constant 1.600000e+01 : f32
    %lt3A_492 = vector.broadcast %lt3A_491 : f32 to vector<32x1xf32>
    %lt3A_493 = arith.cmpf olt, %broadcast_in_dim3A_490, %lt3A_492 : vector<32x1xf32>
    %convert_element_type3A_494 = arith.extui %lt3A_493 : vector<32x1xi1> to vector<32x1xi32>
    %convert_element_type3A_495 = arith.sitofp %convert_element_type3A_494 : vector<32x1xi32> to vector<32x1xf32>
    %dot_general3A_496 = arith.constant dense<0.000000e+00> : vector<32x1xf32>
    %dot_general3A_497 = tpu.matmul %convert_element_type3A_137, %convert_element_type3A_495, %dot_general3A_496 {dimension_numbers = #tpu.dot_dimension_numbers<[1], [0], [0], [1], [0, 0, 1, 1], [], []>, transpose_lhs_hint = false} : vector<32x32xf32>, vector<32x1xf32>, vector<32x1xf32> -> vector<32x1xf32>
    %broadcast_in_dim3A_498 = vector.shape_cast %dot_general3A_497 : vector<32x1xf32> to vector<32x1xf32>
    %broadcast_in_dim3A_499 = vector.broadcast %broadcast_in_dim3A_498 : vector<32x1xf32> to vector<32x16xf32>
    %eq3A_500 = arith.cmpf oeq, %broadcast_in_dim3A_499, %convert_element_type3A_146 : vector<32x16xf32>
    %convert_element_type3A_501 = arith.extui %eq3A_500 : vector<32x16xi1> to vector<32x16xi32>
    %convert_element_type3A_502 = arith.sitofp %convert_element_type3A_501 : vector<32x16xi32> to vector<32x16xf32>
    %mul3A_503 = vector.broadcast %convert_element_type3A_495 : vector<32x1xf32> to vector<32x16xf32>
    %mul3A_504 = arith.mulf %mul3A_503, %convert_element_type3A_502 : vector<32x16xf32>
    %dot_general3A_505 = arith.constant dense<0.000000e+00> : vector<16x1xf32>
    %dot_general3A_506 = tpu.matmul %mul3A_504, %convert_element_type3A_144, %dot_general3A_505 {dimension_numbers = #tpu.dot_dimension_numbers<[0], [0], [1], [1], [0, 1, 1, 1], [], []>, transpose_lhs_hint = false} : vector<32x16xf32>, vector<32x1xf32>, vector<16x1xf32> -> vector<16x1xf32>
    %dot_general3A_507 = arith.constant dense<0.000000e+00> : vector<1x16xf32>
    %dot_general3A_508 = tpu.matmul %dot_general3A_506, %convert_element_type3A_142, %dot_general3A_507 {dimension_numbers = #tpu.dot_dimension_numbers<[0], [0], [1], [1], [0, 1, 1, 1], [], []>, transpose_lhs_hint = false} : vector<16x1xf32>, vector<16x16xf32>, vector<1x16xf32> -> vector<1x16xf32>
    %mul3A_509 = arith.constant 3.200000e+01 : f32
    %mul3A_510 = vector.broadcast %mul3A_509 : f32 to vector<16x1xf32>
    %mul3A_511 = arith.mulf %dot_general3A_472, %mul3A_510 : vector<16x1xf32>
    %broadcast_in_dim3A_512 = vector.shape_cast %dot_general3A_508 : vector<1x16xf32> to vector<1x16xf32>
    %broadcast_in_dim3A_513 = vector.broadcast %broadcast_in_dim3A_512 : vector<1x16xf32> to vector<16x16xf32>
    %add3A_514 = vector.broadcast %mul3A_511 : vector<16x1xf32> to vector<16x16xf32>
    %add3A_515 = arith.addf %add3A_514, %broadcast_in_dim3A_513 : vector<16x16xf32>
    %mul3A_516 = arith.constant 8 : i32
    %mul3A_517 = arith.muli %arg0, %mul3A_516 : i32
    %add3A_518 = arith.constant 2 : i32
    %add3A_519 = arith.addi %mul3A_517, %add3A_518 : i32
    %mul3A_520 = arith.constant 1024 : i32
    %mul3A_521 = arith.muli %add3A_519, %mul3A_520 : i32
    %convert_element_type3A_522 = arith.fptosi %add3A_515 : vector<16x16xf32> to vector<16x16xi32>
    %add3A_523 = vector.broadcast %mul3A_521 : i32 to vector<16x16xi32>
    %add3A_524 = arith.addi %convert_element_type3A_522, %add3A_523 : vector<16x16xi32>
    %slice3A_525 = vector.extract_strided_slice %dot_general3A_80 {offsets = [192, 0], sizes = [64, 1024], strides = [1, 1]} : vector<512x1024xf32> to vector<64x1024xf32>
    %slice3A_526 = vector.extract_strided_slice %slice3A {offsets = [192, 0], sizes = [64, 1024], strides = [1, 1]} : vector<512x1024xf32> to vector<64x1024xf32>
    %slice3A_527 = vector.extract_strided_slice %slice3A_81 {offsets = [192, 0], sizes = [64, 1024], strides = [1, 1]} : vector<512x1024xf32> to vector<64x1024xf32>
    %mul3A_528 = arith.mulf %slice3A_525, %slice3A_525 : vector<64x1024xf32>
    %reduce_sum3A_529 = arith.constant dense<0.000000e+00> : vector<1024xf32>
    %reduce_sum3A_530 = vector.multi_reduction <add>, %mul3A_528, %reduce_sum3A_529 [0] : vector<64x1024xf32> to vector<1024xf32>
    %broadcast_in_dim3A_531 = vector.shape_cast %reduce_sum3A_530 : vector<1024xf32> to vector<1x1024xf32>
    %max3A_532 = arith.constant 1.000000e-24 : f32
    %max3A_533 = vector.broadcast %max3A_532 : f32 to vector<1x1024xf32>
    %max3A_534 = arith.maximumf %broadcast_in_dim3A_531, %max3A_533 : vector<1x1024xf32>
    %rsqrt3A_535 = math.rsqrt %max3A_534 : vector<1x1024xf32>
    %mul3A_536 = vector.broadcast %rsqrt3A_535 : vector<1x1024xf32> to vector<64x1024xf32>
    %mul3A_537 = arith.mulf %slice3A_525, %mul3A_536 : vector<64x1024xf32>
    %mul3A_538 = arith.mulf %slice3A_526, %slice3A_526 : vector<64x1024xf32>
    %reduce_sum3A_539 = arith.constant dense<0.000000e+00> : vector<1024xf32>
    %reduce_sum3A_540 = vector.multi_reduction <add>, %mul3A_538, %reduce_sum3A_539 [0] : vector<64x1024xf32> to vector<1024xf32>
    %broadcast_in_dim3A_541 = vector.shape_cast %reduce_sum3A_540 : vector<1024xf32> to vector<1x1024xf32>
    %max3A_542 = arith.constant 1.000000e-24 : f32
    %max3A_543 = vector.broadcast %max3A_542 : f32 to vector<1x1024xf32>
    %max3A_544 = arith.maximumf %broadcast_in_dim3A_541, %max3A_543 : vector<1x1024xf32>
    %rsqrt3A_545 = math.rsqrt %max3A_544 : vector<1x1024xf32>
    %mul3A_546 = vector.broadcast %rsqrt3A_545 : vector<1x1024xf32> to vector<64x1024xf32>
    %mul3A_547 = arith.mulf %slice3A_526, %mul3A_546 : vector<64x1024xf32>
    %transpose3A_548 = tpu.transpose %mul3A_547, [1, 0] : vector<64x1024xf32> -> vector<1024x64xf32>
    %transpose3A_549 = tpu.transpose %slice3A_527, [1, 0] : vector<64x1024xf32> -> vector<1024x64xf32>
    %concatenate3A_550 = tpu.concatenate %transpose3A_548, %transpose3A_549 in 1 : vector<1024x64xf32>, vector<1024x64xf32> -> vector<1024x128xf32>
    %swap3A_551 = arith.constant 0 : index
    %swap3A_552 = arith.constant 3072 : index
    %swap3A_553 = arith.constant 0 : index
    %swap3A_554 = vector.load %arg10[%swap3A_551, %swap3A_552, %swap3A_553] : memref<1x8192x128xf32, #tpu.memory_space<vmem>>, vector<1x1024x128xf32>
    %swap3A_555 = vector.shape_cast %swap3A_554 : vector<1x1024x128xf32> to vector<1024x128xf32>
    %swap3A_556 = vector.shape_cast %concatenate3A_550 : vector<1024x128xf32> to vector<1x1024x128xf32>
    tpu.vector_store %arg10[%swap3A_551, %swap3A_552, %swap3A_553], %swap3A_556 {strides = array<i32>} : memref<1x8192x128xf32, #tpu.memory_space<vmem>>, vector<1x1024x128xf32>,
    %abs3A_557 = math.absf %mul3A_537 : vector<64x1024xf32>
    %reduce_sum3A_558 = arith.constant dense<0.000000e+00> : vector<64xf32>
    %reduce_sum3A_559 = vector.multi_reduction <add>, %abs3A_557, %reduce_sum3A_558 [1] : vector<64x1024xf32> to vector<64xf32>
    %broadcast_in_dim3A_560 = vector.shape_cast %reduce_sum3A_559 : vector<64xf32> to vector<64x1xf32>
    %abs3A_561 = math.absf %mul3A_547 : vector<64x1024xf32>
    %mul3A_562 = vector.broadcast %broadcast_in_dim3A_560 : vector<64x1xf32> to vector<64x1024xf32>
    %mul3A_563 = arith.mulf %abs3A_561, %mul3A_562 : vector<64x1024xf32>
    %reduce_sum3A_564 = arith.constant dense<0.000000e+00> : vector<1024xf32>
    %reduce_sum3A_565 = vector.multi_reduction <add>, %mul3A_563, %reduce_sum3A_564 [0] : vector<64x1024xf32> to vector<1024xf32>
    %broadcast_in_dim3A_566 = vector.shape_cast %reduce_sum3A_565 : vector<1024xf32> to vector<1x1024xf32>
    %dot_general3A_567 = arith.constant dense<0.000000e+00> : vector<1x32xf32>
    %dot_general3A_568 = tpu.matmul %broadcast_in_dim3A_566, %convert_element_type3A_108, %dot_general3A_567 {dimension_numbers = #tpu.dot_dimension_numbers<[1], [0], [0], [1], [0, 0, 1, 1], [], []>, transpose_lhs_hint = false} : vector<1x1024xf32>, vector<1024x32xf32>, vector<1x32xf32> -> vector<1x32xf32>
    %dot_general3A_569 = arith.constant dense<0.000000e+00> : vector<32x1xf32>
    %dot_general3A_570 = tpu.matmul %convert_element_type3A_108, %broadcast_in_dim3A_566, %dot_general3A_569 {dimension_numbers = #tpu.dot_dimension_numbers<[0], [1], [1], [0], [0, 1, 1, 0], [], []>, transpose_lhs_hint = false} : vector<1024x32xf32>, vector<1x1024xf32>, vector<32x1xf32> -> vector<32x1xf32>
    %broadcast_in_dim3A_571 = vector.shape_cast %dot_general3A_570 : vector<32x1xf32> to vector<32x1xf32>
    %broadcast_in_dim3A_572 = vector.broadcast %broadcast_in_dim3A_571 : vector<32x1xf32> to vector<32x32xf32>
    %broadcast_in_dim3A_573 = vector.shape_cast %dot_general3A_568 : vector<1x32xf32> to vector<1x32xf32>
    %broadcast_in_dim3A_574 = vector.broadcast %broadcast_in_dim3A_573 : vector<1x32xf32> to vector<32x32xf32>
    %gt3A_575 = arith.cmpf ogt, %broadcast_in_dim3A_574, %broadcast_in_dim3A_572 : vector<32x32xf32>
    %eq3A_576 = arith.cmpf oeq, %broadcast_in_dim3A_574, %broadcast_in_dim3A_572 : vector<32x32xf32>
    %lt3A_577 = arith.cmpi slt, %iota3A_134, %iota3A_133 : vector<32x32xi32>
    %and3A_578 = arith.andi %eq3A_576, %lt3A_577 : vector<32x32xi1>
    %or3A_579 = arith.ori %gt3A_575, %and3A_578 : vector<32x32xi1>
    %convert_element_type3A_580 = arith.extui %or3A_579 : vector<32x32xi1> to vector<32x32xi32>
    %convert_element_type3A_581 = arith.sitofp %convert_element_type3A_580 : vector<32x32xi32> to vector<32x32xf32>
    %reduce_sum3A_582 = arith.constant dense<0.000000e+00> : vector<32xf32>
    %reduce_sum3A_583 = vector.multi_reduction <add>, %convert_element_type3A_581, %reduce_sum3A_582 [1] : vector<32x32xf32> to vector<32xf32>
    %broadcast_in_dim3A_584 = vector.shape_cast %reduce_sum3A_583 : vector<32xf32> to vector<32x1xf32>
    %lt3A_585 = arith.constant 1.600000e+01 : f32
    %lt3A_586 = vector.broadcast %lt3A_585 : f32 to vector<32x1xf32>
    %lt3A_587 = arith.cmpf olt, %broadcast_in_dim3A_584, %lt3A_586 : vector<32x1xf32>
    %convert_element_type3A_588 = arith.extui %lt3A_587 : vector<32x1xi1> to vector<32x1xi32>
    %convert_element_type3A_589 = arith.sitofp %convert_element_type3A_588 : vector<32x1xi32> to vector<32x1xf32>
    %dot_general3A_590 = arith.constant dense<0.000000e+00> : vector<32x1xf32>
    %dot_general3A_591 = tpu.matmul %convert_element_type3A_137, %convert_element_type3A_589, %dot_general3A_590 {dimension_numbers = #tpu.dot_dimension_numbers<[1], [0], [0], [1], [0, 0, 1, 1], [], []>, transpose_lhs_hint = false} : vector<32x32xf32>, vector<32x1xf32>, vector<32x1xf32> -> vector<32x1xf32>
    %broadcast_in_dim3A_592 = vector.shape_cast %dot_general3A_591 : vector<32x1xf32> to vector<32x1xf32>
    %broadcast_in_dim3A_593 = vector.broadcast %broadcast_in_dim3A_592 : vector<32x1xf32> to vector<32x16xf32>
    %eq3A_594 = arith.cmpf oeq, %broadcast_in_dim3A_593, %convert_element_type3A_146 : vector<32x16xf32>
    %convert_element_type3A_595 = arith.extui %eq3A_594 : vector<32x16xi1> to vector<32x16xi32>
    %convert_element_type3A_596 = arith.sitofp %convert_element_type3A_595 : vector<32x16xi32> to vector<32x16xf32>
    %mul3A_597 = vector.broadcast %convert_element_type3A_589 : vector<32x1xf32> to vector<32x16xf32>
    %mul3A_598 = arith.mulf %mul3A_597, %convert_element_type3A_596 : vector<32x16xf32>
    %dot_general3A_599 = arith.constant dense<0.000000e+00> : vector<16x1xf32>
    %dot_general3A_600 = tpu.matmul %mul3A_598, %convert_element_type3A_144, %dot_general3A_599 {dimension_numbers = #tpu.dot_dimension_numbers<[0], [0], [1], [1], [0, 1, 1, 1], [], []>, transpose_lhs_hint = false} : vector<32x16xf32>, vector<32x1xf32>, vector<16x1xf32> -> vector<16x1xf32>
    %dot_general3A_601 = arith.constant dense<0.000000e+00> : vector<1x32xf32>
    %dot_general3A_602 = tpu.matmul %broadcast_in_dim3A_566, %convert_element_type3A_132, %dot_general3A_601 {dimension_numbers = #tpu.dot_dimension_numbers<[1], [0], [0], [1], [0, 0, 1, 1], [], []>, transpose_lhs_hint = false} : vector<1x1024xf32>, vector<1024x32xf32>, vector<1x32xf32> -> vector<1x32xf32>
    %dot_general3A_603 = arith.constant dense<0.000000e+00> : vector<32x1xf32>
    %dot_general3A_604 = tpu.matmul %convert_element_type3A_132, %broadcast_in_dim3A_566, %dot_general3A_603 {dimension_numbers = #tpu.dot_dimension_numbers<[0], [1], [1], [0], [0, 1, 1, 0], [], []>, transpose_lhs_hint = false} : vector<1024x32xf32>, vector<1x1024xf32>, vector<32x1xf32> -> vector<32x1xf32>
    %broadcast_in_dim3A_605 = vector.shape_cast %dot_general3A_604 : vector<32x1xf32> to vector<32x1xf32>
    %broadcast_in_dim3A_606 = vector.broadcast %broadcast_in_dim3A_605 : vector<32x1xf32> to vector<32x32xf32>
    %broadcast_in_dim3A_607 = vector.shape_cast %dot_general3A_602 : vector<1x32xf32> to vector<1x32xf32>
    %broadcast_in_dim3A_608 = vector.broadcast %broadcast_in_dim3A_607 : vector<1x32xf32> to vector<32x32xf32>
    %gt3A_609 = arith.cmpf ogt, %broadcast_in_dim3A_608, %broadcast_in_dim3A_606 : vector<32x32xf32>
    %eq3A_610 = arith.cmpf oeq, %broadcast_in_dim3A_608, %broadcast_in_dim3A_606 : vector<32x32xf32>
    %lt3A_611 = arith.cmpi slt, %iota3A_134, %iota3A_133 : vector<32x32xi32>
    %and3A_612 = arith.andi %eq3A_610, %lt3A_611 : vector<32x32xi1>
    %or3A_613 = arith.ori %gt3A_609, %and3A_612 : vector<32x32xi1>
    %convert_element_type3A_614 = arith.extui %or3A_613 : vector<32x32xi1> to vector<32x32xi32>
    %convert_element_type3A_615 = arith.sitofp %convert_element_type3A_614 : vector<32x32xi32> to vector<32x32xf32>
    %reduce_sum3A_616 = arith.constant dense<0.000000e+00> : vector<32xf32>
    %reduce_sum3A_617 = vector.multi_reduction <add>, %convert_element_type3A_615, %reduce_sum3A_616 [1] : vector<32x32xf32> to vector<32xf32>
    %broadcast_in_dim3A_618 = vector.shape_cast %reduce_sum3A_617 : vector<32xf32> to vector<32x1xf32>
    %lt3A_619 = arith.constant 1.600000e+01 : f32
    %lt3A_620 = vector.broadcast %lt3A_619 : f32 to vector<32x1xf32>
    %lt3A_621 = arith.cmpf olt, %broadcast_in_dim3A_618, %lt3A_620 : vector<32x1xf32>
    %convert_element_type3A_622 = arith.extui %lt3A_621 : vector<32x1xi1> to vector<32x1xi32>
    %convert_element_type3A_623 = arith.sitofp %convert_element_type3A_622 : vector<32x1xi32> to vector<32x1xf32>
    %dot_general3A_624 = arith.constant dense<0.000000e+00> : vector<32x1xf32>
    %dot_general3A_625 = tpu.matmul %convert_element_type3A_137, %convert_element_type3A_623, %dot_general3A_624 {dimension_numbers = #tpu.dot_dimension_numbers<[1], [0], [0], [1], [0, 0, 1, 1], [], []>, transpose_lhs_hint = false} : vector<32x32xf32>, vector<32x1xf32>, vector<32x1xf32> -> vector<32x1xf32>
    %broadcast_in_dim3A_626 = vector.shape_cast %dot_general3A_625 : vector<32x1xf32> to vector<32x1xf32>
    %broadcast_in_dim3A_627 = vector.broadcast %broadcast_in_dim3A_626 : vector<32x1xf32> to vector<32x16xf32>
    %eq3A_628 = arith.cmpf oeq, %broadcast_in_dim3A_627, %convert_element_type3A_146 : vector<32x16xf32>
    %convert_element_type3A_629 = arith.extui %eq3A_628 : vector<32x16xi1> to vector<32x16xi32>
    %convert_element_type3A_630 = arith.sitofp %convert_element_type3A_629 : vector<32x16xi32> to vector<32x16xf32>
    %mul3A_631 = vector.broadcast %convert_element_type3A_623 : vector<32x1xf32> to vector<32x16xf32>
    %mul3A_632 = arith.mulf %mul3A_631, %convert_element_type3A_630 : vector<32x16xf32>
    %dot_general3A_633 = arith.constant dense<0.000000e+00> : vector<16x1xf32>
    %dot_general3A_634 = tpu.matmul %mul3A_632, %convert_element_type3A_144, %dot_general3A_633 {dimension_numbers = #tpu.dot_dimension_numbers<[0], [0], [1], [1], [0, 1, 1, 1], [], []>, transpose_lhs_hint = false} : vector<32x16xf32>, vector<32x1xf32>, vector<16x1xf32> -> vector<16x1xf32>
    %dot_general3A_635 = arith.constant dense<0.000000e+00> : vector<1x16xf32>
    %dot_general3A_636 = tpu.matmul %dot_general3A_634, %convert_element_type3A_142, %dot_general3A_635 {dimension_numbers = #tpu.dot_dimension_numbers<[0], [0], [1], [1], [0, 1, 1, 1], [], []>, transpose_lhs_hint = false} : vector<16x1xf32>, vector<16x16xf32>, vector<1x16xf32> -> vector<1x16xf32>
    %mul3A_637 = arith.constant 3.200000e+01 : f32
    %mul3A_638 = vector.broadcast %mul3A_637 : f32 to vector<16x1xf32>
    %mul3A_639 = arith.mulf %dot_general3A_600, %mul3A_638 : vector<16x1xf32>
    %broadcast_in_dim3A_640 = vector.shape_cast %dot_general3A_636 : vector<1x16xf32> to vector<1x16xf32>
    %broadcast_in_dim3A_641 = vector.broadcast %broadcast_in_dim3A_640 : vector<1x16xf32> to vector<16x16xf32>
    %add3A_642 = vector.broadcast %mul3A_639 : vector<16x1xf32> to vector<16x16xf32>
    %add3A_643 = arith.addf %add3A_642, %broadcast_in_dim3A_641 : vector<16x16xf32>
    %mul3A_644 = arith.constant 8 : i32
    %mul3A_645 = arith.muli %arg0, %mul3A_644 : i32
    %add3A_646 = arith.constant 3 : i32
    %add3A_647 = arith.addi %mul3A_645, %add3A_646 : i32
    %mul3A_648 = arith.constant 1024 : i32
    %mul3A_649 = arith.muli %add3A_647, %mul3A_648 : i32
    %convert_element_type3A_650 = arith.fptosi %add3A_643 : vector<16x16xf32> to vector<16x16xi32>
    %add3A_651 = vector.broadcast %mul3A_649 : i32 to vector<16x16xi32>
    %add3A_652 = arith.addi %convert_element_type3A_650, %add3A_651 : vector<16x16xi32>
    %slice3A_653 = vector.extract_strided_slice %dot_general3A_80 {offsets = [256, 0], sizes = [64, 1024], strides = [1, 1]} : vector<512x1024xf32> to vector<64x1024xf32>
    %slice3A_654 = vector.extract_strided_slice %slice3A {offsets = [256, 0], sizes = [64, 1024], strides = [1, 1]} : vector<512x1024xf32> to vector<64x1024xf32>
    %slice3A_655 = vector.extract_strided_slice %slice3A_81 {offsets = [256, 0], sizes = [64, 1024], strides = [1, 1]} : vector<512x1024xf32> to vector<64x1024xf32>
    %mul3A_656 = arith.mulf %slice3A_653, %slice3A_653 : vector<64x1024xf32>
    %reduce_sum3A_657 = arith.constant dense<0.000000e+00> : vector<1024xf32>
    %reduce_sum3A_658 = vector.multi_reduction <add>, %mul3A_656, %reduce_sum3A_657 [0] : vector<64x1024xf32> to vector<1024xf32>
    %broadcast_in_dim3A_659 = vector.shape_cast %reduce_sum3A_658 : vector<1024xf32> to vector<1x1024xf32>
    %max3A_660 = arith.constant 1.000000e-24 : f32
    %max3A_661 = vector.broadcast %max3A_660 : f32 to vector<1x1024xf32>
    %max3A_662 = arith.maximumf %broadcast_in_dim3A_659, %max3A_661 : vector<1x1024xf32>
    %rsqrt3A_663 = math.rsqrt %max3A_662 : vector<1x1024xf32>
    %mul3A_664 = vector.broadcast %rsqrt3A_663 : vector<1x1024xf32> to vector<64x1024xf32>
    %mul3A_665 = arith.mulf %slice3A_653, %mul3A_664 : vector<64x1024xf32>
    %mul3A_666 = arith.mulf %slice3A_654, %slice3A_654 : vector<64x1024xf32>
    %reduce_sum3A_667 = arith.constant dense<0.000000e+00> : vector<1024xf32>
    %reduce_sum3A_668 = vector.multi_reduction <add>, %mul3A_666, %reduce_sum3A_667 [0] : vector<64x1024xf32> to vector<1024xf32>
    %broadcast_in_dim3A_669 = vector.shape_cast %reduce_sum3A_668 : vector<1024xf32> to vector<1x1024xf32>
    %max3A_670 = arith.constant 1.000000e-24 : f32
    %max3A_671 = vector.broadcast %max3A_670 : f32 to vector<1x1024xf32>
    %max3A_672 = arith.maximumf %broadcast_in_dim3A_669, %max3A_671 : vector<1x1024xf32>
    %rsqrt3A_673 = math.rsqrt %max3A_672 : vector<1x1024xf32>
    %mul3A_674 = vector.broadcast %rsqrt3A_673 : vector<1x1024xf32> to vector<64x1024xf32>
    %mul3A_675 = arith.mulf %slice3A_654, %mul3A_674 : vector<64x1024xf32>
    %transpose3A_676 = tpu.transpose %mul3A_675, [1, 0] : vector<64x1024xf32> -> vector<1024x64xf32>
    %transpose3A_677 = tpu.transpose %slice3A_655, [1, 0] : vector<64x1024xf32> -> vector<1024x64xf32>
    %concatenate3A_678 = tpu.concatenate %transpose3A_676, %transpose3A_677 in 1 : vector<1024x64xf32>, vector<1024x64xf32> -> vector<1024x128xf32>
    %swap3A_679 = arith.constant 0 : index
    %swap3A_680 = arith.constant 4096 : index
    %swap3A_681 = arith.constant 0 : index
    %swap3A_682 = vector.load %arg10[%swap3A_679, %swap3A_680, %swap3A_681] : memref<1x8192x128xf32, #tpu.memory_space<vmem>>, vector<1x1024x128xf32>
    %swap3A_683 = vector.shape_cast %swap3A_682 : vector<1x1024x128xf32> to vector<1024x128xf32>
    %swap3A_684 = vector.shape_cast %concatenate3A_678 : vector<1024x128xf32> to vector<1x1024x128xf32>
    tpu.vector_store %arg10[%swap3A_679, %swap3A_680, %swap3A_681], %swap3A_684 {strides = array<i32>} : memref<1x8192x128xf32, #tpu.memory_space<vmem>>, vector<1x1024x128xf32>,
    %abs3A_685 = math.absf %mul3A_665 : vector<64x1024xf32>
    %reduce_sum3A_686 = arith.constant dense<0.000000e+00> : vector<64xf32>
    %reduce_sum3A_687 = vector.multi_reduction <add>, %abs3A_685, %reduce_sum3A_686 [1] : vector<64x1024xf32> to vector<64xf32>
    %broadcast_in_dim3A_688 = vector.shape_cast %reduce_sum3A_687 : vector<64xf32> to vector<64x1xf32>
    %abs3A_689 = math.absf %mul3A_675 : vector<64x1024xf32>
    %mul3A_690 = vector.broadcast %broadcast_in_dim3A_688 : vector<64x1xf32> to vector<64x1024xf32>
    %mul3A_691 = arith.mulf %abs3A_689, %mul3A_690 : vector<64x1024xf32>
    %reduce_sum3A_692 = arith.constant dense<0.000000e+00> : vector<1024xf32>
    %reduce_sum3A_693 = vector.multi_reduction <add>, %mul3A_691, %reduce_sum3A_692 [0] : vector<64x1024xf32> to vector<1024xf32>
    %broadcast_in_dim3A_694 = vector.shape_cast %reduce_sum3A_693 : vector<1024xf32> to vector<1x1024xf32>
    %dot_general3A_695 = arith.constant dense<0.000000e+00> : vector<1x32xf32>
    %dot_general3A_696 = tpu.matmul %broadcast_in_dim3A_694, %convert_element_type3A_108, %dot_general3A_695 {dimension_numbers = #tpu.dot_dimension_numbers<[1], [0], [0], [1], [0, 0, 1, 1], [], []>, transpose_lhs_hint = false} : vector<1x1024xf32>, vector<1024x32xf32>, vector<1x32xf32> -> vector<1x32xf32>
    %dot_general3A_697 = arith.constant dense<0.000000e+00> : vector<32x1xf32>
    %dot_general3A_698 = tpu.matmul %convert_element_type3A_108, %broadcast_in_dim3A_694, %dot_general3A_697 {dimension_numbers = #tpu.dot_dimension_numbers<[0], [1], [1], [0], [0, 1, 1, 0], [], []>, transpose_lhs_hint = false} : vector<1024x32xf32>, vector<1x1024xf32>, vector<32x1xf32> -> vector<32x1xf32>
    %broadcast_in_dim3A_699 = vector.shape_cast %dot_general3A_698 : vector<32x1xf32> to vector<32x1xf32>
    %broadcast_in_dim3A_700 = vector.broadcast %broadcast_in_dim3A_699 : vector<32x1xf32> to vector<32x32xf32>
    %broadcast_in_dim3A_701 = vector.shape_cast %dot_general3A_696 : vector<1x32xf32> to vector<1x32xf32>
    %broadcast_in_dim3A_702 = vector.broadcast %broadcast_in_dim3A_701 : vector<1x32xf32> to vector<32x32xf32>
    %gt3A_703 = arith.cmpf ogt, %broadcast_in_dim3A_702, %broadcast_in_dim3A_700 : vector<32x32xf32>
    %eq3A_704 = arith.cmpf oeq, %broadcast_in_dim3A_702, %broadcast_in_dim3A_700 : vector<32x32xf32>
    %lt3A_705 = arith.cmpi slt, %iota3A_134, %iota3A_133 : vector<32x32xi32>
    %and3A_706 = arith.andi %eq3A_704, %lt3A_705 : vector<32x32xi1>
    %or3A_707 = arith.ori %gt3A_703, %and3A_706 : vector<32x32xi1>
    %convert_element_type3A_708 = arith.extui %or3A_707 : vector<32x32xi1> to vector<32x32xi32>
    %convert_element_type3A_709 = arith.sitofp %convert_element_type3A_708 : vector<32x32xi32> to vector<32x32xf32>
    %reduce_sum3A_710 = arith.constant dense<0.000000e+00> : vector<32xf32>
    %reduce_sum3A_711 = vector.multi_reduction <add>, %convert_element_type3A_709, %reduce_sum3A_710 [1] : vector<32x32xf32> to vector<32xf32>
    %broadcast_in_dim3A_712 = vector.shape_cast %reduce_sum3A_711 : vector<32xf32> to vector<32x1xf32>
    %lt3A_713 = arith.constant 1.600000e+01 : f32
    %lt3A_714 = vector.broadcast %lt3A_713 : f32 to vector<32x1xf32>
    %lt3A_715 = arith.cmpf olt, %broadcast_in_dim3A_712, %lt3A_714 : vector<32x1xf32>
    %convert_element_type3A_716 = arith.extui %lt3A_715 : vector<32x1xi1> to vector<32x1xi32>
    %convert_element_type3A_717 = arith.sitofp %convert_element_type3A_716 : vector<32x1xi32> to vector<32x1xf32>
    %dot_general3A_718 = arith.constant dense<0.000000e+00> : vector<32x1xf32>
    %dot_general3A_719 = tpu.matmul %convert_element_type3A_137, %convert_element_type3A_717, %dot_general3A_718 {dimension_numbers = #tpu.dot_dimension_numbers<[1], [0], [0], [1], [0, 0, 1, 1], [], []>, transpose_lhs_hint = false} : vector<32x32xf32>, vector<32x1xf32>, vector<32x1xf32> -> vector<32x1xf32>
    %broadcast_in_dim3A_720 = vector.shape_cast %dot_general3A_719 : vector<32x1xf32> to vector<32x1xf32>
    %broadcast_in_dim3A_721 = vector.broadcast %broadcast_in_dim3A_720 : vector<32x1xf32> to vector<32x16xf32>
    %eq3A_722 = arith.cmpf oeq, %broadcast_in_dim3A_721, %convert_element_type3A_146 : vector<32x16xf32>
    %convert_element_type3A_723 = arith.extui %eq3A_722 : vector<32x16xi1> to vector<32x16xi32>
    %convert_element_type3A_724 = arith.sitofp %convert_element_type3A_723 : vector<32x16xi32> to vector<32x16xf32>
    %mul3A_725 = vector.broadcast %convert_element_type3A_717 : vector<32x1xf32> to vector<32x16xf32>
    %mul3A_726 = arith.mulf %mul3A_725, %convert_element_type3A_724 : vector<32x16xf32>
    %dot_general3A_727 = arith.constant dense<0.000000e+00> : vector<16x1xf32>
    %dot_general3A_728 = tpu.matmul %mul3A_726, %convert_element_type3A_144, %dot_general3A_727 {dimension_numbers = #tpu.dot_dimension_numbers<[0], [0], [1], [1], [0, 1, 1, 1], [], []>, transpose_lhs_hint = false} : vector<32x16xf32>, vector<32x1xf32>, vector<16x1xf32> -> vector<16x1xf32>
    %dot_general3A_729 = arith.constant dense<0.000000e+00> : vector<1x32xf32>
    %dot_general3A_730 = tpu.matmul %broadcast_in_dim3A_694, %convert_element_type3A_132, %dot_general3A_729 {dimension_numbers = #tpu.dot_dimension_numbers<[1], [0], [0], [1], [0, 0, 1, 1], [], []>, transpose_lhs_hint = false} : vector<1x1024xf32>, vector<1024x32xf32>, vector<1x32xf32> -> vector<1x32xf32>
    %dot_general3A_731 = arith.constant dense<0.000000e+00> : vector<32x1xf32>
    %dot_general3A_732 = tpu.matmul %convert_element_type3A_132, %broadcast_in_dim3A_694, %dot_general3A_731 {dimension_numbers = #tpu.dot_dimension_numbers<[0], [1], [1], [0], [0, 1, 1, 0], [], []>, transpose_lhs_hint = false} : vector<1024x32xf32>, vector<1x1024xf32>, vector<32x1xf32> -> vector<32x1xf32>
    %broadcast_in_dim3A_733 = vector.shape_cast %dot_general3A_732 : vector<32x1xf32> to vector<32x1xf32>
    %broadcast_in_dim3A_734 = vector.broadcast %broadcast_in_dim3A_733 : vector<32x1xf32> to vector<32x32xf32>
    %broadcast_in_dim3A_735 = vector.shape_cast %dot_general3A_730 : vector<1x32xf32> to vector<1x32xf32>
    %broadcast_in_dim3A_736 = vector.broadcast %broadcast_in_dim3A_735 : vector<1x32xf32> to vector<32x32xf32>
    %gt3A_737 = arith.cmpf ogt, %broadcast_in_dim3A_736, %broadcast_in_dim3A_734 : vector<32x32xf32>
    %eq3A_738 = arith.cmpf oeq, %broadcast_in_dim3A_736, %broadcast_in_dim3A_734 : vector<32x32xf32>
    %lt3A_739 = arith.cmpi slt, %iota3A_134, %iota3A_133 : vector<32x32xi32>
    %and3A_740 = arith.andi %eq3A_738, %lt3A_739 : vector<32x32xi1>
    %or3A_741 = arith.ori %gt3A_737, %and3A_740 : vector<32x32xi1>
    %convert_element_type3A_742 = arith.extui %or3A_741 : vector<32x32xi1> to vector<32x32xi32>
    %convert_element_type3A_743 = arith.sitofp %convert_element_type3A_742 : vector<32x32xi32> to vector<32x32xf32>
    %reduce_sum3A_744 = arith.constant dense<0.000000e+00> : vector<32xf32>
    %reduce_sum3A_745 = vector.multi_reduction <add>, %convert_element_type3A_743, %reduce_sum3A_744 [1] : vector<32x32xf32> to vector<32xf32>
    %broadcast_in_dim3A_746 = vector.shape_cast %reduce_sum3A_745 : vector<32xf32> to vector<32x1xf32>
    %lt3A_747 = arith.constant 1.600000e+01 : f32
    %lt3A_748 = vector.broadcast %lt3A_747 : f32 to vector<32x1xf32>
    %lt3A_749 = arith.cmpf olt, %broadcast_in_dim3A_746, %lt3A_748 : vector<32x1xf32>
    %convert_element_type3A_750 = arith.extui %lt3A_749 : vector<32x1xi1> to vector<32x1xi32>
    %convert_element_type3A_751 = arith.sitofp %convert_element_type3A_750 : vector<32x1xi32> to vector<32x1xf32>
    %dot_general3A_752 = arith.constant dense<0.000000e+00> : vector<32x1xf32>
    %dot_general3A_753 = tpu.matmul %convert_element_type3A_137, %convert_element_type3A_751, %dot_general3A_752 {dimension_numbers = #tpu.dot_dimension_numbers<[1], [0], [0], [1], [0, 0, 1, 1], [], []>, transpose_lhs_hint = false} : vector<32x32xf32>, vector<32x1xf32>, vector<32x1xf32> -> vector<32x1xf32>
    %broadcast_in_dim3A_754 = vector.shape_cast %dot_general3A_753 : vector<32x1xf32> to vector<32x1xf32>
    %broadcast_in_dim3A_755 = vector.broadcast %broadcast_in_dim3A_754 : vector<32x1xf32> to vector<32x16xf32>
    %eq3A_756 = arith.cmpf oeq, %broadcast_in_dim3A_755, %convert_element_type3A_146 : vector<32x16xf32>
    %convert_element_type3A_757 = arith.extui %eq3A_756 : vector<32x16xi1> to vector<32x16xi32>
    %convert_element_type3A_758 = arith.sitofp %convert_element_type3A_757 : vector<32x16xi32> to vector<32x16xf32>
    %mul3A_759 = vector.broadcast %convert_element_type3A_751 : vector<32x1xf32> to vector<32x16xf32>
    %mul3A_760 = arith.mulf %mul3A_759, %convert_element_type3A_758 : vector<32x16xf32>
    %dot_general3A_761 = arith.constant dense<0.000000e+00> : vector<16x1xf32>
    %dot_general3A_762 = tpu.matmul %mul3A_760, %convert_element_type3A_144, %dot_general3A_761 {dimension_numbers = #tpu.dot_dimension_numbers<[0], [0], [1], [1], [0, 1, 1, 1], [], []>, transpose_lhs_hint = false} : vector<32x16xf32>, vector<32x1xf32>, vector<16x1xf32> -> vector<16x1xf32>
    %dot_general3A_763 = arith.constant dense<0.000000e+00> : vector<1x16xf32>
    %dot_general3A_764 = tpu.matmul %dot_general3A_762, %convert_element_type3A_142, %dot_general3A_763 {dimension_numbers = #tpu.dot_dimension_numbers<[0], [0], [1], [1], [0, 1, 1, 1], [], []>, transpose_lhs_hint = false} : vector<16x1xf32>, vector<16x16xf32>, vector<1x16xf32> -> vector<1x16xf32>
    %mul3A_765 = arith.constant 3.200000e+01 : f32
    %mul3A_766 = vector.broadcast %mul3A_765 : f32 to vector<16x1xf32>
    %mul3A_767 = arith.mulf %dot_general3A_728, %mul3A_766 : vector<16x1xf32>
    %broadcast_in_dim3A_768 = vector.shape_cast %dot_general3A_764 : vector<1x16xf32> to vector<1x16xf32>
    %broadcast_in_dim3A_769 = vector.broadcast %broadcast_in_dim3A_768 : vector<1x16xf32> to vector<16x16xf32>
    %add3A_770 = vector.broadcast %mul3A_767 : vector<16x1xf32> to vector<16x16xf32>
    %add3A_771 = arith.addf %add3A_770, %broadcast_in_dim3A_769 : vector<16x16xf32>
    %mul3A_772 = arith.constant 8 : i32
    %mul3A_773 = arith.muli %arg0, %mul3A_772 : i32
    %add3A_774 = arith.constant 4 : i32
    %add3A_775 = arith.addi %mul3A_773, %add3A_774 : i32
    %mul3A_776 = arith.constant 1024 : i32
    %mul3A_777 = arith.muli %add3A_775, %mul3A_776 : i32
    %convert_element_type3A_778 = arith.fptosi %add3A_771 : vector<16x16xf32> to vector<16x16xi32>
    %add3A_779 = vector.broadcast %mul3A_777 : i32 to vector<16x16xi32>
    %add3A_780 = arith.addi %convert_element_type3A_778, %add3A_779 : vector<16x16xi32>
    %slice3A_781 = vector.extract_strided_slice %dot_general3A_80 {offsets = [320, 0], sizes = [64, 1024], strides = [1, 1]} : vector<512x1024xf32> to vector<64x1024xf32>
    %slice3A_782 = vector.extract_strided_slice %slice3A {offsets = [320, 0], sizes = [64, 1024], strides = [1, 1]} : vector<512x1024xf32> to vector<64x1024xf32>
    %slice3A_783 = vector.extract_strided_slice %slice3A_81 {offsets = [320, 0], sizes = [64, 1024], strides = [1, 1]} : vector<512x1024xf32> to vector<64x1024xf32>
    %mul3A_784 = arith.mulf %slice3A_781, %slice3A_781 : vector<64x1024xf32>
    %reduce_sum3A_785 = arith.constant dense<0.000000e+00> : vector<1024xf32>
    %reduce_sum3A_786 = vector.multi_reduction <add>, %mul3A_784, %reduce_sum3A_785 [0] : vector<64x1024xf32> to vector<1024xf32>
    %broadcast_in_dim3A_787 = vector.shape_cast %reduce_sum3A_786 : vector<1024xf32> to vector<1x1024xf32>
    %max3A_788 = arith.constant 1.000000e-24 : f32
    %max3A_789 = vector.broadcast %max3A_788 : f32 to vector<1x1024xf32>
    %max3A_790 = arith.maximumf %broadcast_in_dim3A_787, %max3A_789 : vector<1x1024xf32>
    %rsqrt3A_791 = math.rsqrt %max3A_790 : vector<1x1024xf32>
    %mul3A_792 = vector.broadcast %rsqrt3A_791 : vector<1x1024xf32> to vector<64x1024xf32>
    %mul3A_793 = arith.mulf %slice3A_781, %mul3A_792 : vector<64x1024xf32>
    %mul3A_794 = arith.mulf %slice3A_782, %slice3A_782 : vector<64x1024xf32>
    %reduce_sum3A_795 = arith.constant dense<0.000000e+00> : vector<1024xf32>
    %reduce_sum3A_796 = vector.multi_reduction <add>, %mul3A_794, %reduce_sum3A_795 [0] : vector<64x1024xf32> to vector<1024xf32>
    %broadcast_in_dim3A_797 = vector.shape_cast %reduce_sum3A_796 : vector<1024xf32> to vector<1x1024xf32>
    %max3A_798 = arith.constant 1.000000e-24 : f32
    %max3A_799 = vector.broadcast %max3A_798 : f32 to vector<1x1024xf32>
    %max3A_800 = arith.maximumf %broadcast_in_dim3A_797, %max3A_799 : vector<1x1024xf32>
    %rsqrt3A_801 = math.rsqrt %max3A_800 : vector<1x1024xf32>
    %mul3A_802 = vector.broadcast %rsqrt3A_801 : vector<1x1024xf32> to vector<64x1024xf32>
    %mul3A_803 = arith.mulf %slice3A_782, %mul3A_802 : vector<64x1024xf32>
    %transpose3A_804 = tpu.transpose %mul3A_803, [1, 0] : vector<64x1024xf32> -> vector<1024x64xf32>
    %transpose3A_805 = tpu.transpose %slice3A_783, [1, 0] : vector<64x1024xf32> -> vector<1024x64xf32>
    %concatenate3A_806 = tpu.concatenate %transpose3A_804, %transpose3A_805 in 1 : vector<1024x64xf32>, vector<1024x64xf32> -> vector<1024x128xf32>
    %swap3A_807 = arith.constant 0 : index
    %swap3A_808 = arith.constant 5120 : index
    %swap3A_809 = arith.constant 0 : index
    %swap3A_810 = vector.load %arg10[%swap3A_807, %swap3A_808, %swap3A_809] : memref<1x8192x128xf32, #tpu.memory_space<vmem>>, vector<1x1024x128xf32>
    %swap3A_811 = vector.shape_cast %swap3A_810 : vector<1x1024x128xf32> to vector<1024x128xf32>
    %swap3A_812 = vector.shape_cast %concatenate3A_806 : vector<1024x128xf32> to vector<1x1024x128xf32>
    tpu.vector_store %arg10[%swap3A_807, %swap3A_808, %swap3A_809], %swap3A_812 {strides = array<i32>} : memref<1x8192x128xf32, #tpu.memory_space<vmem>>, vector<1x1024x128xf32>,
    %abs3A_813 = math.absf %mul3A_793 : vector<64x1024xf32>
    %reduce_sum3A_814 = arith.constant dense<0.000000e+00> : vector<64xf32>
    %reduce_sum3A_815 = vector.multi_reduction <add>, %abs3A_813, %reduce_sum3A_814 [1] : vector<64x1024xf32> to vector<64xf32>
    %broadcast_in_dim3A_816 = vector.shape_cast %reduce_sum3A_815 : vector<64xf32> to vector<64x1xf32>
    %abs3A_817 = math.absf %mul3A_803 : vector<64x1024xf32>
    %mul3A_818 = vector.broadcast %broadcast_in_dim3A_816 : vector<64x1xf32> to vector<64x1024xf32>
    %mul3A_819 = arith.mulf %abs3A_817, %mul3A_818 : vector<64x1024xf32>
    %reduce_sum3A_820 = arith.constant dense<0.000000e+00> : vector<1024xf32>
    %reduce_sum3A_821 = vector.multi_reduction <add>, %mul3A_819, %reduce_sum3A_820 [0] : vector<64x1024xf32> to vector<1024xf32>
    %broadcast_in_dim3A_822 = vector.shape_cast %reduce_sum3A_821 : vector<1024xf32> to vector<1x1024xf32>
    %dot_general3A_823 = arith.constant dense<0.000000e+00> : vector<1x32xf32>
    %dot_general3A_824 = tpu.matmul %broadcast_in_dim3A_822, %convert_element_type3A_108, %dot_general3A_823 {dimension_numbers = #tpu.dot_dimension_numbers<[1], [0], [0], [1], [0, 0, 1, 1], [], []>, transpose_lhs_hint = false} : vector<1x1024xf32>, vector<1024x32xf32>, vector<1x32xf32> -> vector<1x32xf32>
    %dot_general3A_825 = arith.constant dense<0.000000e+00> : vector<32x1xf32>
    %dot_general3A_826 = tpu.matmul %convert_element_type3A_108, %broadcast_in_dim3A_822, %dot_general3A_825 {dimension_numbers = #tpu.dot_dimension_numbers<[0], [1], [1], [0], [0, 1, 1, 0], [], []>, transpose_lhs_hint = false} : vector<1024x32xf32>, vector<1x1024xf32>, vector<32x1xf32> -> vector<32x1xf32>
    %broadcast_in_dim3A_827 = vector.shape_cast %dot_general3A_826 : vector<32x1xf32> to vector<32x1xf32>
    %broadcast_in_dim3A_828 = vector.broadcast %broadcast_in_dim3A_827 : vector<32x1xf32> to vector<32x32xf32>
    %broadcast_in_dim3A_829 = vector.shape_cast %dot_general3A_824 : vector<1x32xf32> to vector<1x32xf32>
    %broadcast_in_dim3A_830 = vector.broadcast %broadcast_in_dim3A_829 : vector<1x32xf32> to vector<32x32xf32>
    %gt3A_831 = arith.cmpf ogt, %broadcast_in_dim3A_830, %broadcast_in_dim3A_828 : vector<32x32xf32>
    %eq3A_832 = arith.cmpf oeq, %broadcast_in_dim3A_830, %broadcast_in_dim3A_828 : vector<32x32xf32>
    %lt3A_833 = arith.cmpi slt, %iota3A_134, %iota3A_133 : vector<32x32xi32>
    %and3A_834 = arith.andi %eq3A_832, %lt3A_833 : vector<32x32xi1>
    %or3A_835 = arith.ori %gt3A_831, %and3A_834 : vector<32x32xi1>
    %convert_element_type3A_836 = arith.extui %or3A_835 : vector<32x32xi1> to vector<32x32xi32>
    %convert_element_type3A_837 = arith.sitofp %convert_element_type3A_836 : vector<32x32xi32> to vector<32x32xf32>
    %reduce_sum3A_838 = arith.constant dense<0.000000e+00> : vector<32xf32>
    %reduce_sum3A_839 = vector.multi_reduction <add>, %convert_element_type3A_837, %reduce_sum3A_838 [1] : vector<32x32xf32> to vector<32xf32>
    %broadcast_in_dim3A_840 = vector.shape_cast %reduce_sum3A_839 : vector<32xf32> to vector<32x1xf32>
    %lt3A_841 = arith.constant 1.600000e+01 : f32
    %lt3A_842 = vector.broadcast %lt3A_841 : f32 to vector<32x1xf32>
    %lt3A_843 = arith.cmpf olt, %broadcast_in_dim3A_840, %lt3A_842 : vector<32x1xf32>
    %convert_element_type3A_844 = arith.extui %lt3A_843 : vector<32x1xi1> to vector<32x1xi32>
    %convert_element_type3A_845 = arith.sitofp %convert_element_type3A_844 : vector<32x1xi32> to vector<32x1xf32>
    %dot_general3A_846 = arith.constant dense<0.000000e+00> : vector<32x1xf32>
    %dot_general3A_847 = tpu.matmul %convert_element_type3A_137, %convert_element_type3A_845, %dot_general3A_846 {dimension_numbers = #tpu.dot_dimension_numbers<[1], [0], [0], [1], [0, 0, 1, 1], [], []>, transpose_lhs_hint = false} : vector<32x32xf32>, vector<32x1xf32>, vector<32x1xf32> -> vector<32x1xf32>
    %broadcast_in_dim3A_848 = vector.shape_cast %dot_general3A_847 : vector<32x1xf32> to vector<32x1xf32>
    %broadcast_in_dim3A_849 = vector.broadcast %broadcast_in_dim3A_848 : vector<32x1xf32> to vector<32x16xf32>
    %eq3A_850 = arith.cmpf oeq, %broadcast_in_dim3A_849, %convert_element_type3A_146 : vector<32x16xf32>
    %convert_element_type3A_851 = arith.extui %eq3A_850 : vector<32x16xi1> to vector<32x16xi32>
    %convert_element_type3A_852 = arith.sitofp %convert_element_type3A_851 : vector<32x16xi32> to vector<32x16xf32>
    %mul3A_853 = vector.broadcast %convert_element_type3A_845 : vector<32x1xf32> to vector<32x16xf32>
    %mul3A_854 = arith.mulf %mul3A_853, %convert_element_type3A_852 : vector<32x16xf32>
    %dot_general3A_855 = arith.constant dense<0.000000e+00> : vector<16x1xf32>
    %dot_general3A_856 = tpu.matmul %mul3A_854, %convert_element_type3A_144, %dot_general3A_855 {dimension_numbers = #tpu.dot_dimension_numbers<[0], [0], [1], [1], [0, 1, 1, 1], [], []>, transpose_lhs_hint = false} : vector<32x16xf32>, vector<32x1xf32>, vector<16x1xf32> -> vector<16x1xf32>
    %dot_general3A_857 = arith.constant dense<0.000000e+00> : vector<1x32xf32>
    %dot_general3A_858 = tpu.matmul %broadcast_in_dim3A_822, %convert_element_type3A_132, %dot_general3A_857 {dimension_numbers = #tpu.dot_dimension_numbers<[1], [0], [0], [1], [0, 0, 1, 1], [], []>, transpose_lhs_hint = false} : vector<1x1024xf32>, vector<1024x32xf32>, vector<1x32xf32> -> vector<1x32xf32>
    %dot_general3A_859 = arith.constant dense<0.000000e+00> : vector<32x1xf32>
    %dot_general3A_860 = tpu.matmul %convert_element_type3A_132, %broadcast_in_dim3A_822, %dot_general3A_859 {dimension_numbers = #tpu.dot_dimension_numbers<[0], [1], [1], [0], [0, 1, 1, 0], [], []>, transpose_lhs_hint = false} : vector<1024x32xf32>, vector<1x1024xf32>, vector<32x1xf32> -> vector<32x1xf32>
    %broadcast_in_dim3A_861 = vector.shape_cast %dot_general3A_860 : vector<32x1xf32> to vector<32x1xf32>
    %broadcast_in_dim3A_862 = vector.broadcast %broadcast_in_dim3A_861 : vector<32x1xf32> to vector<32x32xf32>
    %broadcast_in_dim3A_863 = vector.shape_cast %dot_general3A_858 : vector<1x32xf32> to vector<1x32xf32>
    %broadcast_in_dim3A_864 = vector.broadcast %broadcast_in_dim3A_863 : vector<1x32xf32> to vector<32x32xf32>
    %gt3A_865 = arith.cmpf ogt, %broadcast_in_dim3A_864, %broadcast_in_dim3A_862 : vector<32x32xf32>
    %eq3A_866 = arith.cmpf oeq, %broadcast_in_dim3A_864, %broadcast_in_dim3A_862 : vector<32x32xf32>
    %lt3A_867 = arith.cmpi slt, %iota3A_134, %iota3A_133 : vector<32x32xi32>
    %and3A_868 = arith.andi %eq3A_866, %lt3A_867 : vector<32x32xi1>
    %or3A_869 = arith.ori %gt3A_865, %and3A_868 : vector<32x32xi1>
    %convert_element_type3A_870 = arith.extui %or3A_869 : vector<32x32xi1> to vector<32x32xi32>
    %convert_element_type3A_871 = arith.sitofp %convert_element_type3A_870 : vector<32x32xi32> to vector<32x32xf32>
    %reduce_sum3A_872 = arith.constant dense<0.000000e+00> : vector<32xf32>
    %reduce_sum3A_873 = vector.multi_reduction <add>, %convert_element_type3A_871, %reduce_sum3A_872 [1] : vector<32x32xf32> to vector<32xf32>
    %broadcast_in_dim3A_874 = vector.shape_cast %reduce_sum3A_873 : vector<32xf32> to vector<32x1xf32>
    %lt3A_875 = arith.constant 1.600000e+01 : f32
    %lt3A_876 = vector.broadcast %lt3A_875 : f32 to vector<32x1xf32>
    %lt3A_877 = arith.cmpf olt, %broadcast_in_dim3A_874, %lt3A_876 : vector<32x1xf32>
    %convert_element_type3A_878 = arith.extui %lt3A_877 : vector<32x1xi1> to vector<32x1xi32>
    %convert_element_type3A_879 = arith.sitofp %convert_element_type3A_878 : vector<32x1xi32> to vector<32x1xf32>
    %dot_general3A_880 = arith.constant dense<0.000000e+00> : vector<32x1xf32>
    %dot_general3A_881 = tpu.matmul %convert_element_type3A_137, %convert_element_type3A_879, %dot_general3A_880 {dimension_numbers = #tpu.dot_dimension_numbers<[1], [0], [0], [1], [0, 0, 1, 1], [], []>, transpose_lhs_hint = false} : vector<32x32xf32>, vector<32x1xf32>, vector<32x1xf32> -> vector<32x1xf32>
    %broadcast_in_dim3A_882 = vector.shape_cast %dot_general3A_881 : vector<32x1xf32> to vector<32x1xf32>
    %broadcast_in_dim3A_883 = vector.broadcast %broadcast_in_dim3A_882 : vector<32x1xf32> to vector<32x16xf32>
    %eq3A_884 = arith.cmpf oeq, %broadcast_in_dim3A_883, %convert_element_type3A_146 : vector<32x16xf32>
    %convert_element_type3A_885 = arith.extui %eq3A_884 : vector<32x16xi1> to vector<32x16xi32>
    %convert_element_type3A_886 = arith.sitofp %convert_element_type3A_885 : vector<32x16xi32> to vector<32x16xf32>
    %mul3A_887 = vector.broadcast %convert_element_type3A_879 : vector<32x1xf32> to vector<32x16xf32>
    %mul3A_888 = arith.mulf %mul3A_887, %convert_element_type3A_886 : vector<32x16xf32>
    %dot_general3A_889 = arith.constant dense<0.000000e+00> : vector<16x1xf32>
    %dot_general3A_890 = tpu.matmul %mul3A_888, %convert_element_type3A_144, %dot_general3A_889 {dimension_numbers = #tpu.dot_dimension_numbers<[0], [0], [1], [1], [0, 1, 1, 1], [], []>, transpose_lhs_hint = false} : vector<32x16xf32>, vector<32x1xf32>, vector<16x1xf32> -> vector<16x1xf32>
    %dot_general3A_891 = arith.constant dense<0.000000e+00> : vector<1x16xf32>
    %dot_general3A_892 = tpu.matmul %dot_general3A_890, %convert_element_type3A_142, %dot_general3A_891 {dimension_numbers = #tpu.dot_dimension_numbers<[0], [0], [1], [1], [0, 1, 1, 1], [], []>, transpose_lhs_hint = false} : vector<16x1xf32>, vector<16x16xf32>, vector<1x16xf32> -> vector<1x16xf32>
    %mul3A_893 = arith.constant 3.200000e+01 : f32
    %mul3A_894 = vector.broadcast %mul3A_893 : f32 to vector<16x1xf32>
    %mul3A_895 = arith.mulf %dot_general3A_856, %mul3A_894 : vector<16x1xf32>
    %broadcast_in_dim3A_896 = vector.shape_cast %dot_general3A_892 : vector<1x16xf32> to vector<1x16xf32>
    %broadcast_in_dim3A_897 = vector.broadcast %broadcast_in_dim3A_896 : vector<1x16xf32> to vector<16x16xf32>
    %add3A_898 = vector.broadcast %mul3A_895 : vector<16x1xf32> to vector<16x16xf32>
    %add3A_899 = arith.addf %add3A_898, %broadcast_in_dim3A_897 : vector<16x16xf32>
    %mul3A_900 = arith.constant 8 : i32
    %mul3A_901 = arith.muli %arg0, %mul3A_900 : i32
    %add3A_902 = arith.constant 5 : i32
    %add3A_903 = arith.addi %mul3A_901, %add3A_902 : i32
    %mul3A_904 = arith.constant 1024 : i32
    %mul3A_905 = arith.muli %add3A_903, %mul3A_904 : i32
    %convert_element_type3A_906 = arith.fptosi %add3A_899 : vector<16x16xf32> to vector<16x16xi32>
    %add3A_907 = vector.broadcast %mul3A_905 : i32 to vector<16x16xi32>
    %add3A_908 = arith.addi %convert_element_type3A_906, %add3A_907 : vector<16x16xi32>
    %slice3A_909 = vector.extract_strided_slice %dot_general3A_80 {offsets = [384, 0], sizes = [64, 1024], strides = [1, 1]} : vector<512x1024xf32> to vector<64x1024xf32>
    %slice3A_910 = vector.extract_strided_slice %slice3A {offsets = [384, 0], sizes = [64, 1024], strides = [1, 1]} : vector<512x1024xf32> to vector<64x1024xf32>
    %slice3A_911 = vector.extract_strided_slice %slice3A_81 {offsets = [384, 0], sizes = [64, 1024], strides = [1, 1]} : vector<512x1024xf32> to vector<64x1024xf32>
    %mul3A_912 = arith.mulf %slice3A_909, %slice3A_909 : vector<64x1024xf32>
    %reduce_sum3A_913 = arith.constant dense<0.000000e+00> : vector<1024xf32>
    %reduce_sum3A_914 = vector.multi_reduction <add>, %mul3A_912, %reduce_sum3A_913 [0] : vector<64x1024xf32> to vector<1024xf32>
    %broadcast_in_dim3A_915 = vector.shape_cast %reduce_sum3A_914 : vector<1024xf32> to vector<1x1024xf32>
    %max3A_916 = arith.constant 1.000000e-24 : f32
    %max3A_917 = vector.broadcast %max3A_916 : f32 to vector<1x1024xf32>
    %max3A_918 = arith.maximumf %broadcast_in_dim3A_915, %max3A_917 : vector<1x1024xf32>
    %rsqrt3A_919 = math.rsqrt %max3A_918 : vector<1x1024xf32>
    %mul3A_920 = vector.broadcast %rsqrt3A_919 : vector<1x1024xf32> to vector<64x1024xf32>
    %mul3A_921 = arith.mulf %slice3A_909, %mul3A_920 : vector<64x1024xf32>
    %mul3A_922 = arith.mulf %slice3A_910, %slice3A_910 : vector<64x1024xf32>
    %reduce_sum3A_923 = arith.constant dense<0.000000e+00> : vector<1024xf32>
    %reduce_sum3A_924 = vector.multi_reduction <add>, %mul3A_922, %reduce_sum3A_923 [0] : vector<64x1024xf32> to vector<1024xf32>
    %broadcast_in_dim3A_925 = vector.shape_cast %reduce_sum3A_924 : vector<1024xf32> to vector<1x1024xf32>
    %max3A_926 = arith.constant 1.000000e-24 : f32
    %max3A_927 = vector.broadcast %max3A_926 : f32 to vector<1x1024xf32>
    %max3A_928 = arith.maximumf %broadcast_in_dim3A_925, %max3A_927 : vector<1x1024xf32>
    %rsqrt3A_929 = math.rsqrt %max3A_928 : vector<1x1024xf32>
    %mul3A_930 = vector.broadcast %rsqrt3A_929 : vector<1x1024xf32> to vector<64x1024xf32>
    %mul3A_931 = arith.mulf %slice3A_910, %mul3A_930 : vector<64x1024xf32>
    %transpose3A_932 = tpu.transpose %mul3A_931, [1, 0] : vector<64x1024xf32> -> vector<1024x64xf32>
    %transpose3A_933 = tpu.transpose %slice3A_911, [1, 0] : vector<64x1024xf32> -> vector<1024x64xf32>
    %concatenate3A_934 = tpu.concatenate %transpose3A_932, %transpose3A_933 in 1 : vector<1024x64xf32>, vector<1024x64xf32> -> vector<1024x128xf32>
    %swap3A_935 = arith.constant 0 : index
    %swap3A_936 = arith.constant 6144 : index
    %swap3A_937 = arith.constant 0 : index
    %swap3A_938 = vector.load %arg10[%swap3A_935, %swap3A_936, %swap3A_937] : memref<1x8192x128xf32, #tpu.memory_space<vmem>>, vector<1x1024x128xf32>
    %swap3A_939 = vector.shape_cast %swap3A_938 : vector<1x1024x128xf32> to vector<1024x128xf32>
    %swap3A_940 = vector.shape_cast %concatenate3A_934 : vector<1024x128xf32> to vector<1x1024x128xf32>
    tpu.vector_store %arg10[%swap3A_935, %swap3A_936, %swap3A_937], %swap3A_940 {strides = array<i32>} : memref<1x8192x128xf32, #tpu.memory_space<vmem>>, vector<1x1024x128xf32>,
    %abs3A_941 = math.absf %mul3A_921 : vector<64x1024xf32>
    %reduce_sum3A_942 = arith.constant dense<0.000000e+00> : vector<64xf32>
    %reduce_sum3A_943 = vector.multi_reduction <add>, %abs3A_941, %reduce_sum3A_942 [1] : vector<64x1024xf32> to vector<64xf32>
    %broadcast_in_dim3A_944 = vector.shape_cast %reduce_sum3A_943 : vector<64xf32> to vector<64x1xf32>
    %abs3A_945 = math.absf %mul3A_931 : vector<64x1024xf32>
    %mul3A_946 = vector.broadcast %broadcast_in_dim3A_944 : vector<64x1xf32> to vector<64x1024xf32>
    %mul3A_947 = arith.mulf %abs3A_945, %mul3A_946 : vector<64x1024xf32>
    %reduce_sum3A_948 = arith.constant dense<0.000000e+00> : vector<1024xf32>
    %reduce_sum3A_949 = vector.multi_reduction <add>, %mul3A_947, %reduce_sum3A_948 [0] : vector<64x1024xf32> to vector<1024xf32>
    %broadcast_in_dim3A_950 = vector.shape_cast %reduce_sum3A_949 : vector<1024xf32> to vector<1x1024xf32>
    %dot_general3A_951 = arith.constant dense<0.000000e+00> : vector<1x32xf32>
    %dot_general3A_952 = tpu.matmul %broadcast_in_dim3A_950, %convert_element_type3A_108, %dot_general3A_951 {dimension_numbers = #tpu.dot_dimension_numbers<[1], [0], [0], [1], [0, 0, 1, 1], [], []>, transpose_lhs_hint = false} : vector<1x1024xf32>, vector<1024x32xf32>, vector<1x32xf32> -> vector<1x32xf32>
    %dot_general3A_953 = arith.constant dense<0.000000e+00> : vector<32x1xf32>
    %dot_general3A_954 = tpu.matmul %convert_element_type3A_108, %broadcast_in_dim3A_950, %dot_general3A_953 {dimension_numbers = #tpu.dot_dimension_numbers<[0], [1], [1], [0], [0, 1, 1, 0], [], []>, transpose_lhs_hint = false} : vector<1024x32xf32>, vector<1x1024xf32>, vector<32x1xf32> -> vector<32x1xf32>
    %broadcast_in_dim3A_955 = vector.shape_cast %dot_general3A_954 : vector<32x1xf32> to vector<32x1xf32>
    %broadcast_in_dim3A_956 = vector.broadcast %broadcast_in_dim3A_955 : vector<32x1xf32> to vector<32x32xf32>
    %broadcast_in_dim3A_957 = vector.shape_cast %dot_general3A_952 : vector<1x32xf32> to vector<1x32xf32>
    %broadcast_in_dim3A_958 = vector.broadcast %broadcast_in_dim3A_957 : vector<1x32xf32> to vector<32x32xf32>
    %gt3A_959 = arith.cmpf ogt, %broadcast_in_dim3A_958, %broadcast_in_dim3A_956 : vector<32x32xf32>
    %eq3A_960 = arith.cmpf oeq, %broadcast_in_dim3A_958, %broadcast_in_dim3A_956 : vector<32x32xf32>
    %lt3A_961 = arith.cmpi slt, %iota3A_134, %iota3A_133 : vector<32x32xi32>
    %and3A_962 = arith.andi %eq3A_960, %lt3A_961 : vector<32x32xi1>
    %or3A_963 = arith.ori %gt3A_959, %and3A_962 : vector<32x32xi1>
    %convert_element_type3A_964 = arith.extui %or3A_963 : vector<32x32xi1> to vector<32x32xi32>
    %convert_element_type3A_965 = arith.sitofp %convert_element_type3A_964 : vector<32x32xi32> to vector<32x32xf32>
    %reduce_sum3A_966 = arith.constant dense<0.000000e+00> : vector<32xf32>
    %reduce_sum3A_967 = vector.multi_reduction <add>, %convert_element_type3A_965, %reduce_sum3A_966 [1] : vector<32x32xf32> to vector<32xf32>
    %broadcast_in_dim3A_968 = vector.shape_cast %reduce_sum3A_967 : vector<32xf32> to vector<32x1xf32>
    %lt3A_969 = arith.constant 1.600000e+01 : f32
    %lt3A_970 = vector.broadcast %lt3A_969 : f32 to vector<32x1xf32>
    %lt3A_971 = arith.cmpf olt, %broadcast_in_dim3A_968, %lt3A_970 : vector<32x1xf32>
    %convert_element_type3A_972 = arith.extui %lt3A_971 : vector<32x1xi1> to vector<32x1xi32>
    %convert_element_type3A_973 = arith.sitofp %convert_element_type3A_972 : vector<32x1xi32> to vector<32x1xf32>
    %dot_general3A_974 = arith.constant dense<0.000000e+00> : vector<32x1xf32>
    %dot_general3A_975 = tpu.matmul %convert_element_type3A_137, %convert_element_type3A_973, %dot_general3A_974 {dimension_numbers = #tpu.dot_dimension_numbers<[1], [0], [0], [1], [0, 0, 1, 1], [], []>, transpose_lhs_hint = false} : vector<32x32xf32>, vector<32x1xf32>, vector<32x1xf32> -> vector<32x1xf32>
    %broadcast_in_dim3A_976 = vector.shape_cast %dot_general3A_975 : vector<32x1xf32> to vector<32x1xf32>
    %broadcast_in_dim3A_977 = vector.broadcast %broadcast_in_dim3A_976 : vector<32x1xf32> to vector<32x16xf32>
    %eq3A_978 = arith.cmpf oeq, %broadcast_in_dim3A_977, %convert_element_type3A_146 : vector<32x16xf32>
    %convert_element_type3A_979 = arith.extui %eq3A_978 : vector<32x16xi1> to vector<32x16xi32>
    %convert_element_type3A_980 = arith.sitofp %convert_element_type3A_979 : vector<32x16xi32> to vector<32x16xf32>
    %mul3A_981 = vector.broadcast %convert_element_type3A_973 : vector<32x1xf32> to vector<32x16xf32>
    %mul3A_982 = arith.mulf %mul3A_981, %convert_element_type3A_980 : vector<32x16xf32>
    %dot_general3A_983 = arith.constant dense<0.000000e+00> : vector<16x1xf32>
    %dot_general3A_984 = tpu.matmul %mul3A_982, %convert_element_type3A_144, %dot_general3A_983 {dimension_numbers = #tpu.dot_dimension_numbers<[0], [0], [1], [1], [0, 1, 1, 1], [], []>, transpose_lhs_hint = false} : vector<32x16xf32>, vector<32x1xf32>, vector<16x1xf32> -> vector<16x1xf32>
    %dot_general3A_985 = arith.constant dense<0.000000e+00> : vector<1x32xf32>
    %dot_general3A_986 = tpu.matmul %broadcast_in_dim3A_950, %convert_element_type3A_132, %dot_general3A_985 {dimension_numbers = #tpu.dot_dimension_numbers<[1], [0], [0], [1], [0, 0, 1, 1], [], []>, transpose_lhs_hint = false} : vector<1x1024xf32>, vector<1024x32xf32>, vector<1x32xf32> -> vector<1x32xf32>
    %dot_general3A_987 = arith.constant dense<0.000000e+00> : vector<32x1xf32>
    %dot_general3A_988 = tpu.matmul %convert_element_type3A_132, %broadcast_in_dim3A_950, %dot_general3A_987 {dimension_numbers = #tpu.dot_dimension_numbers<[0], [1], [1], [0], [0, 1, 1, 0], [], []>, transpose_lhs_hint = false} : vector<1024x32xf32>, vector<1x1024xf32>, vector<32x1xf32> -> vector<32x1xf32>
    %broadcast_in_dim3A_989 = vector.shape_cast %dot_general3A_988 : vector<32x1xf32> to vector<32x1xf32>
    %broadcast_in_dim3A_990 = vector.broadcast %broadcast_in_dim3A_989 : vector<32x1xf32> to vector<32x32xf32>
    %broadcast_in_dim3A_991 = vector.shape_cast %dot_general3A_986 : vector<1x32xf32> to vector<1x32xf32>
    %broadcast_in_dim3A_992 = vector.broadcast %broadcast_in_dim3A_991 : vector<1x32xf32> to vector<32x32xf32>
    %gt3A_993 = arith.cmpf ogt, %broadcast_in_dim3A_992, %broadcast_in_dim3A_990 : vector<32x32xf32>
    %eq3A_994 = arith.cmpf oeq, %broadcast_in_dim3A_992, %broadcast_in_dim3A_990 : vector<32x32xf32>
    %lt3A_995 = arith.cmpi slt, %iota3A_134, %iota3A_133 : vector<32x32xi32>
    %and3A_996 = arith.andi %eq3A_994, %lt3A_995 : vector<32x32xi1>
    %or3A_997 = arith.ori %gt3A_993, %and3A_996 : vector<32x32xi1>
    %convert_element_type3A_998 = arith.extui %or3A_997 : vector<32x32xi1> to vector<32x32xi32>
    %convert_element_type3A_999 = arith.sitofp %convert_element_type3A_998 : vector<32x32xi32> to vector<32x32xf32>
    %reduce_sum3A_1000 = arith.constant dense<0.000000e+00> : vector<32xf32>
    %reduce_sum3A_1001 = vector.multi_reduction <add>, %convert_element_type3A_999, %reduce_sum3A_1000 [1] : vector<32x32xf32> to vector<32xf32>
    %broadcast_in_dim3A_1002 = vector.shape_cast %reduce_sum3A_1001 : vector<32xf32> to vector<32x1xf32>
    %lt3A_1003 = arith.constant 1.600000e+01 : f32
    %lt3A_1004 = vector.broadcast %lt3A_1003 : f32 to vector<32x1xf32>
    %lt3A_1005 = arith.cmpf olt, %broadcast_in_dim3A_1002, %lt3A_1004 : vector<32x1xf32>
    %convert_element_type3A_1006 = arith.extui %lt3A_1005 : vector<32x1xi1> to vector<32x1xi32>
    %convert_element_type3A_1007 = arith.sitofp %convert_element_type3A_1006 : vector<32x1xi32> to vector<32x1xf32>
    %dot_general3A_1008 = arith.constant dense<0.000000e+00> : vector<32x1xf32>
    %dot_general3A_1009 = tpu.matmul %convert_element_type3A_137, %convert_element_type3A_1007, %dot_general3A_1008 {dimension_numbers = #tpu.dot_dimension_numbers<[1], [0], [0], [1], [0, 0, 1, 1], [], []>, transpose_lhs_hint = false} : vector<32x32xf32>, vector<32x1xf32>, vector<32x1xf32> -> vector<32x1xf32>
    %broadcast_in_dim3A_1010 = vector.shape_cast %dot_general3A_1009 : vector<32x1xf32> to vector<32x1xf32>
    %broadcast_in_dim3A_1011 = vector.broadcast %broadcast_in_dim3A_1010 : vector<32x1xf32> to vector<32x16xf32>
    %eq3A_1012 = arith.cmpf oeq, %broadcast_in_dim3A_1011, %convert_element_type3A_146 : vector<32x16xf32>
    %convert_element_type3A_1013 = arith.extui %eq3A_1012 : vector<32x16xi1> to vector<32x16xi32>
    %convert_element_type3A_1014 = arith.sitofp %convert_element_type3A_1013 : vector<32x16xi32> to vector<32x16xf32>
    %mul3A_1015 = vector.broadcast %convert_element_type3A_1007 : vector<32x1xf32> to vector<32x16xf32>
    %mul3A_1016 = arith.mulf %mul3A_1015, %convert_element_type3A_1014 : vector<32x16xf32>
    %dot_general3A_1017 = arith.constant dense<0.000000e+00> : vector<16x1xf32>
    %dot_general3A_1018 = tpu.matmul %mul3A_1016, %convert_element_type3A_144, %dot_general3A_1017 {dimension_numbers = #tpu.dot_dimension_numbers<[0], [0], [1], [1], [0, 1, 1, 1], [], []>, transpose_lhs_hint = false} : vector<32x16xf32>, vector<32x1xf32>, vector<16x1xf32> -> vector<16x1xf32>
    %dot_general3A_1019 = arith.constant dense<0.000000e+00> : vector<1x16xf32>
    %dot_general3A_1020 = tpu.matmul %dot_general3A_1018, %convert_element_type3A_142, %dot_general3A_1019 {dimension_numbers = #tpu.dot_dimension_numbers<[0], [0], [1], [1], [0, 1, 1, 1], [], []>, transpose_lhs_hint = false} : vector<16x1xf32>, vector<16x16xf32>, vector<1x16xf32> -> vector<1x16xf32>
    %mul3A_1021 = arith.constant 3.200000e+01 : f32
    %mul3A_1022 = vector.broadcast %mul3A_1021 : f32 to vector<16x1xf32>
    %mul3A_1023 = arith.mulf %dot_general3A_984, %mul3A_1022 : vector<16x1xf32>
    %broadcast_in_dim3A_1024 = vector.shape_cast %dot_general3A_1020 : vector<1x16xf32> to vector<1x16xf32>
    %broadcast_in_dim3A_1025 = vector.broadcast %broadcast_in_dim3A_1024 : vector<1x16xf32> to vector<16x16xf32>
    %add3A_1026 = vector.broadcast %mul3A_1023 : vector<16x1xf32> to vector<16x16xf32>
    %add3A_1027 = arith.addf %add3A_1026, %broadcast_in_dim3A_1025 : vector<16x16xf32>
    %mul3A_1028 = arith.constant 8 : i32
    %mul3A_1029 = arith.muli %arg0, %mul3A_1028 : i32
    %add3A_1030 = arith.constant 6 : i32
    %add3A_1031 = arith.addi %mul3A_1029, %add3A_1030 : i32
    %mul3A_1032 = arith.constant 1024 : i32
    %mul3A_1033 = arith.muli %add3A_1031, %mul3A_1032 : i32
    %convert_element_type3A_1034 = arith.fptosi %add3A_1027 : vector<16x16xf32> to vector<16x16xi32>
    %add3A_1035 = vector.broadcast %mul3A_1033 : i32 to vector<16x16xi32>
    %add3A_1036 = arith.addi %convert_element_type3A_1034, %add3A_1035 : vector<16x16xi32>
    %slice3A_1037 = vector.extract_strided_slice %dot_general3A_80 {offsets = [448, 0], sizes = [64, 1024], strides = [1, 1]} : vector<512x1024xf32> to vector<64x1024xf32>
    %slice3A_1038 = vector.extract_strided_slice %slice3A {offsets = [448, 0], sizes = [64, 1024], strides = [1, 1]} : vector<512x1024xf32> to vector<64x1024xf32>
    %slice3A_1039 = vector.extract_strided_slice %slice3A_81 {offsets = [448, 0], sizes = [64, 1024], strides = [1, 1]} : vector<512x1024xf32> to vector<64x1024xf32>
    %mul3A_1040 = arith.mulf %slice3A_1037, %slice3A_1037 : vector<64x1024xf32>
    %reduce_sum3A_1041 = arith.constant dense<0.000000e+00> : vector<1024xf32>
    %reduce_sum3A_1042 = vector.multi_reduction <add>, %mul3A_1040, %reduce_sum3A_1041 [0] : vector<64x1024xf32> to vector<1024xf32>
    %broadcast_in_dim3A_1043 = vector.shape_cast %reduce_sum3A_1042 : vector<1024xf32> to vector<1x1024xf32>
    %max3A_1044 = arith.constant 1.000000e-24 : f32
    %max3A_1045 = vector.broadcast %max3A_1044 : f32 to vector<1x1024xf32>
    %max3A_1046 = arith.maximumf %broadcast_in_dim3A_1043, %max3A_1045 : vector<1x1024xf32>
    %rsqrt3A_1047 = math.rsqrt %max3A_1046 : vector<1x1024xf32>
    %mul3A_1048 = vector.broadcast %rsqrt3A_1047 : vector<1x1024xf32> to vector<64x1024xf32>
    %mul3A_1049 = arith.mulf %slice3A_1037, %mul3A_1048 : vector<64x1024xf32>
    %mul3A_1050 = arith.mulf %slice3A_1038, %slice3A_1038 : vector<64x1024xf32>
    %reduce_sum3A_1051 = arith.constant dense<0.000000e+00> : vector<1024xf32>
    %reduce_sum3A_1052 = vector.multi_reduction <add>, %mul3A_1050, %reduce_sum3A_1051 [0] : vector<64x1024xf32> to vector<1024xf32>
    %broadcast_in_dim3A_1053 = vector.shape_cast %reduce_sum3A_1052 : vector<1024xf32> to vector<1x1024xf32>
    %max3A_1054 = arith.constant 1.000000e-24 : f32
    %max3A_1055 = vector.broadcast %max3A_1054 : f32 to vector<1x1024xf32>
    %max3A_1056 = arith.maximumf %broadcast_in_dim3A_1053, %max3A_1055 : vector<1x1024xf32>
    %rsqrt3A_1057 = math.rsqrt %max3A_1056 : vector<1x1024xf32>
    %mul3A_1058 = vector.broadcast %rsqrt3A_1057 : vector<1x1024xf32> to vector<64x1024xf32>
    %mul3A_1059 = arith.mulf %slice3A_1038, %mul3A_1058 : vector<64x1024xf32>
    %transpose3A_1060 = tpu.transpose %mul3A_1059, [1, 0] : vector<64x1024xf32> -> vector<1024x64xf32>
    %transpose3A_1061 = tpu.transpose %slice3A_1039, [1, 0] : vector<64x1024xf32> -> vector<1024x64xf32>
    %concatenate3A_1062 = tpu.concatenate %transpose3A_1060, %transpose3A_1061 in 1 : vector<1024x64xf32>, vector<1024x64xf32> -> vector<1024x128xf32>
    %swap3A_1063 = arith.constant 0 : index
    %swap3A_1064 = arith.constant 7168 : index
    %swap3A_1065 = arith.constant 0 : index
    %swap3A_1066 = vector.load %arg10[%swap3A_1063, %swap3A_1064, %swap3A_1065] : memref<1x8192x128xf32, #tpu.memory_space<vmem>>, vector<1x1024x128xf32>
    %swap3A_1067 = vector.shape_cast %swap3A_1066 : vector<1x1024x128xf32> to vector<1024x128xf32>
    %swap3A_1068 = vector.shape_cast %concatenate3A_1062 : vector<1024x128xf32> to vector<1x1024x128xf32>
    tpu.vector_store %arg10[%swap3A_1063, %swap3A_1064, %swap3A_1065], %swap3A_1068 {strides = array<i32>} : memref<1x8192x128xf32, #tpu.memory_space<vmem>>, vector<1x1024x128xf32>,
    %abs3A_1069 = math.absf %mul3A_1049 : vector<64x1024xf32>
    %reduce_sum3A_1070 = arith.constant dense<0.000000e+00> : vector<64xf32>
    %reduce_sum3A_1071 = vector.multi_reduction <add>, %abs3A_1069, %reduce_sum3A_1070 [1] : vector<64x1024xf32> to vector<64xf32>
    %broadcast_in_dim3A_1072 = vector.shape_cast %reduce_sum3A_1071 : vector<64xf32> to vector<64x1xf32>
    %abs3A_1073 = math.absf %mul3A_1059 : vector<64x1024xf32>
    %mul3A_1074 = vector.broadcast %broadcast_in_dim3A_1072 : vector<64x1xf32> to vector<64x1024xf32>
    %mul3A_1075 = arith.mulf %abs3A_1073, %mul3A_1074 : vector<64x1024xf32>
    %reduce_sum3A_1076 = arith.constant dense<0.000000e+00> : vector<1024xf32>
    %reduce_sum3A_1077 = vector.multi_reduction <add>, %mul3A_1075, %reduce_sum3A_1076 [0] : vector<64x1024xf32> to vector<1024xf32>
    %broadcast_in_dim3A_1078 = vector.shape_cast %reduce_sum3A_1077 : vector<1024xf32> to vector<1x1024xf32>
    %dot_general3A_1079 = arith.constant dense<0.000000e+00> : vector<1x32xf32>
    %dot_general3A_1080 = tpu.matmul %broadcast_in_dim3A_1078, %convert_element_type3A_108, %dot_general3A_1079 {dimension_numbers = #tpu.dot_dimension_numbers<[1], [0], [0], [1], [0, 0, 1, 1], [], []>, transpose_lhs_hint = false} : vector<1x1024xf32>, vector<1024x32xf32>, vector<1x32xf32> -> vector<1x32xf32>
    %dot_general3A_1081 = arith.constant dense<0.000000e+00> : vector<32x1xf32>
    %dot_general3A_1082 = tpu.matmul %convert_element_type3A_108, %broadcast_in_dim3A_1078, %dot_general3A_1081 {dimension_numbers = #tpu.dot_dimension_numbers<[0], [1], [1], [0], [0, 1, 1, 0], [], []>, transpose_lhs_hint = false} : vector<1024x32xf32>, vector<1x1024xf32>, vector<32x1xf32> -> vector<32x1xf32>
    %broadcast_in_dim3A_1083 = vector.shape_cast %dot_general3A_1082 : vector<32x1xf32> to vector<32x1xf32>
    %broadcast_in_dim3A_1084 = vector.broadcast %broadcast_in_dim3A_1083 : vector<32x1xf32> to vector<32x32xf32>
    %broadcast_in_dim3A_1085 = vector.shape_cast %dot_general3A_1080 : vector<1x32xf32> to vector<1x32xf32>
    %broadcast_in_dim3A_1086 = vector.broadcast %broadcast_in_dim3A_1085 : vector<1x32xf32> to vector<32x32xf32>
    %gt3A_1087 = arith.cmpf ogt, %broadcast_in_dim3A_1086, %broadcast_in_dim3A_1084 : vector<32x32xf32>
    %eq3A_1088 = arith.cmpf oeq, %broadcast_in_dim3A_1086, %broadcast_in_dim3A_1084 : vector<32x32xf32>
    %lt3A_1089 = arith.cmpi slt, %iota3A_134, %iota3A_133 : vector<32x32xi32>
    %and3A_1090 = arith.andi %eq3A_1088, %lt3A_1089 : vector<32x32xi1>
    %or3A_1091 = arith.ori %gt3A_1087, %and3A_1090 : vector<32x32xi1>
    %convert_element_type3A_1092 = arith.extui %or3A_1091 : vector<32x32xi1> to vector<32x32xi32>
    %convert_element_type3A_1093 = arith.sitofp %convert_element_type3A_1092 : vector<32x32xi32> to vector<32x32xf32>
    %reduce_sum3A_1094 = arith.constant dense<0.000000e+00> : vector<32xf32>
    %reduce_sum3A_1095 = vector.multi_reduction <add>, %convert_element_type3A_1093, %reduce_sum3A_1094 [1] : vector<32x32xf32> to vector<32xf32>
    %broadcast_in_dim3A_1096 = vector.shape_cast %reduce_sum3A_1095 : vector<32xf32> to vector<32x1xf32>
    %lt3A_1097 = arith.constant 1.600000e+01 : f32
    %lt3A_1098 = vector.broadcast %lt3A_1097 : f32 to vector<32x1xf32>
    %lt3A_1099 = arith.cmpf olt, %broadcast_in_dim3A_1096, %lt3A_1098 : vector<32x1xf32>
    %convert_element_type3A_1100 = arith.extui %lt3A_1099 : vector<32x1xi1> to vector<32x1xi32>
    %convert_element_type3A_1101 = arith.sitofp %convert_element_type3A_1100 : vector<32x1xi32> to vector<32x1xf32>
    %dot_general3A_1102 = arith.constant dense<0.000000e+00> : vector<32x1xf32>
    %dot_general3A_1103 = tpu.matmul %convert_element_type3A_137, %convert_element_type3A_1101, %dot_general3A_1102 {dimension_numbers = #tpu.dot_dimension_numbers<[1], [0], [0], [1], [0, 0, 1, 1], [], []>, transpose_lhs_hint = false} : vector<32x32xf32>, vector<32x1xf32>, vector<32x1xf32> -> vector<32x1xf32>
    %broadcast_in_dim3A_1104 = vector.shape_cast %dot_general3A_1103 : vector<32x1xf32> to vector<32x1xf32>
    %broadcast_in_dim3A_1105 = vector.broadcast %broadcast_in_dim3A_1104 : vector<32x1xf32> to vector<32x16xf32>
    %eq3A_1106 = arith.cmpf oeq, %broadcast_in_dim3A_1105, %convert_element_type3A_146 : vector<32x16xf32>
    %convert_element_type3A_1107 = arith.extui %eq3A_1106 : vector<32x16xi1> to vector<32x16xi32>
    %convert_element_type3A_1108 = arith.sitofp %convert_element_type3A_1107 : vector<32x16xi32> to vector<32x16xf32>
    %mul3A_1109 = vector.broadcast %convert_element_type3A_1101 : vector<32x1xf32> to vector<32x16xf32>
    %mul3A_1110 = arith.mulf %mul3A_1109, %convert_element_type3A_1108 : vector<32x16xf32>
    %dot_general3A_1111 = arith.constant dense<0.000000e+00> : vector<16x1xf32>
    %dot_general3A_1112 = tpu.matmul %mul3A_1110, %convert_element_type3A_144, %dot_general3A_1111 {dimension_numbers = #tpu.dot_dimension_numbers<[0], [0], [1], [1], [0, 1, 1, 1], [], []>, transpose_lhs_hint = false} : vector<32x16xf32>, vector<32x1xf32>, vector<16x1xf32> -> vector<16x1xf32>
    %dot_general3A_1113 = arith.constant dense<0.000000e+00> : vector<1x32xf32>
    %dot_general3A_1114 = tpu.matmul %broadcast_in_dim3A_1078, %convert_element_type3A_132, %dot_general3A_1113 {dimension_numbers = #tpu.dot_dimension_numbers<[1], [0], [0], [1], [0, 0, 1, 1], [], []>, transpose_lhs_hint = false} : vector<1x1024xf32>, vector<1024x32xf32>, vector<1x32xf32> -> vector<1x32xf32>
    %dot_general3A_1115 = arith.constant dense<0.000000e+00> : vector<32x1xf32>
    %dot_general3A_1116 = tpu.matmul %convert_element_type3A_132, %broadcast_in_dim3A_1078, %dot_general3A_1115 {dimension_numbers = #tpu.dot_dimension_numbers<[0], [1], [1], [0], [0, 1, 1, 0], [], []>, transpose_lhs_hint = false} : vector<1024x32xf32>, vector<1x1024xf32>, vector<32x1xf32> -> vector<32x1xf32>
    %broadcast_in_dim3A_1117 = vector.shape_cast %dot_general3A_1116 : vector<32x1xf32> to vector<32x1xf32>
    %broadcast_in_dim3A_1118 = vector.broadcast %broadcast_in_dim3A_1117 : vector<32x1xf32> to vector<32x32xf32>
    %broadcast_in_dim3A_1119 = vector.shape_cast %dot_general3A_1114 : vector<1x32xf32> to vector<1x32xf32>
    %broadcast_in_dim3A_1120 = vector.broadcast %broadcast_in_dim3A_1119 : vector<1x32xf32> to vector<32x32xf32>
    %gt3A_1121 = arith.cmpf ogt, %broadcast_in_dim3A_1120, %broadcast_in_dim3A_1118 : vector<32x32xf32>
    %eq3A_1122 = arith.cmpf oeq, %broadcast_in_dim3A_1120, %broadcast_in_dim3A_1118 : vector<32x32xf32>
    %lt3A_1123 = arith.cmpi slt, %iota3A_134, %iota3A_133 : vector<32x32xi32>
    %and3A_1124 = arith.andi %eq3A_1122, %lt3A_1123 : vector<32x32xi1>
    %or3A_1125 = arith.ori %gt3A_1121, %and3A_1124 : vector<32x32xi1>
    %convert_element_type3A_1126 = arith.extui %or3A_1125 : vector<32x32xi1> to vector<32x32xi32>
    %convert_element_type3A_1127 = arith.sitofp %convert_element_type3A_1126 : vector<32x32xi32> to vector<32x32xf32>
    %reduce_sum3A_1128 = arith.constant dense<0.000000e+00> : vector<32xf32>
    %reduce_sum3A_1129 = vector.multi_reduction <add>, %convert_element_type3A_1127, %reduce_sum3A_1128 [1] : vector<32x32xf32> to vector<32xf32>
    %broadcast_in_dim3A_1130 = vector.shape_cast %reduce_sum3A_1129 : vector<32xf32> to vector<32x1xf32>
    %lt3A_1131 = arith.constant 1.600000e+01 : f32
    %lt3A_1132 = vector.broadcast %lt3A_1131 : f32 to vector<32x1xf32>
    %lt3A_1133 = arith.cmpf olt, %broadcast_in_dim3A_1130, %lt3A_1132 : vector<32x1xf32>
    %convert_element_type3A_1134 = arith.extui %lt3A_1133 : vector<32x1xi1> to vector<32x1xi32>
    %convert_element_type3A_1135 = arith.sitofp %convert_element_type3A_1134 : vector<32x1xi32> to vector<32x1xf32>
    %dot_general3A_1136 = arith.constant dense<0.000000e+00> : vector<32x1xf32>
    %dot_general3A_1137 = tpu.matmul %convert_element_type3A_137, %convert_element_type3A_1135, %dot_general3A_1136 {dimension_numbers = #tpu.dot_dimension_numbers<[1], [0], [0], [1], [0, 0, 1, 1], [], []>, transpose_lhs_hint = false} : vector<32x32xf32>, vector<32x1xf32>, vector<32x1xf32> -> vector<32x1xf32>
    %broadcast_in_dim3A_1138 = vector.shape_cast %dot_general3A_1137 : vector<32x1xf32> to vector<32x1xf32>
    %broadcast_in_dim3A_1139 = vector.broadcast %broadcast_in_dim3A_1138 : vector<32x1xf32> to vector<32x16xf32>
    %eq3A_1140 = arith.cmpf oeq, %broadcast_in_dim3A_1139, %convert_element_type3A_146 : vector<32x16xf32>
    %convert_element_type3A_1141 = arith.extui %eq3A_1140 : vector<32x16xi1> to vector<32x16xi32>
    %convert_element_type3A_1142 = arith.sitofp %convert_element_type3A_1141 : vector<32x16xi32> to vector<32x16xf32>
    %mul3A_1143 = vector.broadcast %convert_element_type3A_1135 : vector<32x1xf32> to vector<32x16xf32>
    %mul3A_1144 = arith.mulf %mul3A_1143, %convert_element_type3A_1142 : vector<32x16xf32>
    %dot_general3A_1145 = arith.constant dense<0.000000e+00> : vector<16x1xf32>
    %dot_general3A_1146 = tpu.matmul %mul3A_1144, %convert_element_type3A_144, %dot_general3A_1145 {dimension_numbers = #tpu.dot_dimension_numbers<[0], [0], [1], [1], [0, 1, 1, 1], [], []>, transpose_lhs_hint = false} : vector<32x16xf32>, vector<32x1xf32>, vector<16x1xf32> -> vector<16x1xf32>
    %dot_general3A_1147 = arith.constant dense<0.000000e+00> : vector<1x16xf32>
    %dot_general3A_1148 = tpu.matmul %dot_general3A_1146, %convert_element_type3A_142, %dot_general3A_1147 {dimension_numbers = #tpu.dot_dimension_numbers<[0], [0], [1], [1], [0, 1, 1, 1], [], []>, transpose_lhs_hint = false} : vector<16x1xf32>, vector<16x16xf32>, vector<1x16xf32> -> vector<1x16xf32>
    %mul3A_1149 = arith.constant 3.200000e+01 : f32
    %mul3A_1150 = vector.broadcast %mul3A_1149 : f32 to vector<16x1xf32>
    %mul3A_1151 = arith.mulf %dot_general3A_1112, %mul3A_1150 : vector<16x1xf32>
    %broadcast_in_dim3A_1152 = vector.shape_cast %dot_general3A_1148 : vector<1x16xf32> to vector<1x16xf32>
    %broadcast_in_dim3A_1153 = vector.broadcast %broadcast_in_dim3A_1152 : vector<1x16xf32> to vector<16x16xf32>
    %add3A_1154 = vector.broadcast %mul3A_1151 : vector<16x1xf32> to vector<16x16xf32>
    %add3A_1155 = arith.addf %add3A_1154, %broadcast_in_dim3A_1153 : vector<16x16xf32>
    %mul3A_1156 = arith.constant 8 : i32
    %mul3A_1157 = arith.muli %arg0, %mul3A_1156 : i32
    %add3A_1158 = arith.constant 7 : i32
    %add3A_1159 = arith.addi %mul3A_1157, %add3A_1158 : i32
    %mul3A_1160 = arith.constant 1024 : i32
    %mul3A_1161 = arith.muli %add3A_1159, %mul3A_1160 : i32
    %convert_element_type3A_1162 = arith.fptosi %add3A_1155 : vector<16x16xf32> to vector<16x16xi32>
    %add3A_1163 = vector.broadcast %mul3A_1161 : i32 to vector<16x16xi32>
    %add3A_1164 = arith.addi %convert_element_type3A_1162, %add3A_1163 : vector<16x16xi32>
    %concatenate3A_1165 = tpu.concatenate %mul3A_158, %mul3A_281, %mul3A_409, %mul3A_537, %mul3A_665, %mul3A_793, %mul3A_921, %mul3A_1049 in 0 : vector<64x1024xf32>, vector<64x1024xf32>, vector<64x1024xf32>, vector<64x1024xf32>, vector<64x1024xf32>, vector<64x1024xf32>, vector<64x1024xf32>, vector<64x1024xf32> -> vector<512x1024xf32>
    %swap3A_1166 = arith.constant 0 : index
    %swap3A_1167 = arith.constant 0 : index
    %swap3A_1168 = arith.constant 0 : index
    %swap3A_1169 = vector.load %arg9[%swap3A_1166, %swap3A_1167, %swap3A_1168] : memref<1x512x1024xf32, #tpu.memory_space<vmem>>, vector<1x512x1024xf32>
    %swap3A_1170 = vector.shape_cast %swap3A_1169 : vector<1x512x1024xf32> to vector<512x1024xf32>
    %swap3A_1171 = vector.shape_cast %concatenate3A_1165 : vector<512x1024xf32> to vector<1x512x1024xf32>
    tpu.vector_store %arg9[%swap3A_1166, %swap3A_1167, %swap3A_1168], %swap3A_1171 {strides = array<i32>} : memref<1x512x1024xf32, #tpu.memory_space<vmem>>, vector<1x512x1024xf32>,
    %stack3A = vector.shape_cast %add3A_268 : vector<16x16xi32> to vector<1x16x16xi32>
    %stack3A_1172 = vector.shape_cast %add3A_396 : vector<16x16xi32> to vector<1x16x16xi32>
    %stack3A_1173 = vector.shape_cast %add3A_524 : vector<16x16xi32> to vector<1x16x16xi32>
    %stack3A_1174 = vector.shape_cast %add3A_652 : vector<16x16xi32> to vector<1x16x16xi32>
    %stack3A_1175 = vector.shape_cast %add3A_780 : vector<16x16xi32> to vector<1x16x16xi32>
    %stack3A_1176 = vector.shape_cast %add3A_908 : vector<16x16xi32> to vector<1x16x16xi32>
    %stack3A_1177 = vector.shape_cast %add3A_1036 : vector<16x16xi32> to vector<1x16x16xi32>
    %stack3A_1178 = vector.shape_cast %add3A_1164 : vector<16x16xi32> to vector<1x16x16xi32>
    %stack3A_1179 = tpu.concatenate %stack3A, %stack3A_1172, %stack3A_1173, %stack3A_1174, %stack3A_1175, %stack3A_1176, %stack3A_1177, %stack3A_1178 in 0 : vector<1x16x16xi32>, vector<1x16x16xi32>, vector<1x16x16xi32>, vector<1x16x16xi32>, vector<1x16x16xi32>, vector<1x16x16xi32>, vector<1x16x16xi32>, vector<1x16x16xi32> -> vector<8x16x16xi32>
    %swap3A_1180 = arith.constant 0 : index
    %swap3A_1181 = arith.constant 0 : index
    %swap3A_1182 = arith.constant 0 : index
    %swap3A_1183 = arith.constant 0 : index
    %swap3A_1184 = vector.load %arg12[%swap3A_1180, %swap3A_1181, %swap3A_1182, %swap3A_1183] : memref<1x8x16x16xi32, #tpu.memory_space<vmem>>, vector<1x8x16x16xi32>
    %swap3A_1185 = vector.shape_cast %swap3A_1184 : vector<1x8x16x16xi32> to vector<8x16x16xi32>
    %swap3A_1186 = vector.shape_cast %stack3A_1179 : vector<8x16x16xi32> to vector<1x8x16x16xi32>
    tpu.vector_store %arg12[%swap3A_1180, %swap3A_1181, %swap3A_1182, %swap3A_1183], %swap3A_1186 {strides = array<i32>} : memref<1x8x16x16xi32, #tpu.memory_space<vmem>>, vector<1x8x16x16xi32>,
    return
  }
  func.func @transform_0(%arg0: i32) -> (i32, i32, i32) {
    %c0_i32 = arith.constant 0 : i32
    %c0_i32_0 = arith.constant 0 : i32
    %c0_i32_1 = arith.constant 0 : i32
    return %arg0, %c0_i32, %c0_i32_0 : i32, i32, i32
  }
  func.func @transform_1(%arg0: i32) -> (i32, i32, i32) {
    %c0_i32 = arith.constant 0 : i32
    %c0_i32_0 = arith.constant 0 : i32
    %c0_i32_1 = arith.constant 0 : i32
    return %arg0, %c0_i32, %c0_i32_0 : i32, i32, i32
  }
  func.func @transform_2(%arg0: i32) -> (i32, i32) {
    %c0_i32 = arith.constant 0 : i32
    %c0_i32_0 = arith.constant 0 : i32
    %c0_i32_1 = arith.constant 0 : i32
    return %c0_i32, %c0_i32_0 : i32, i32
  }
  func.func @transform_3(%arg0: i32) -> (i32, i32) {
    %c0_i32 = arith.constant 0 : i32
    %c0_i32_0 = arith.constant 0 : i32
    %c0_i32_1 = arith.constant 0 : i32
    return %c0_i32, %c0_i32_0 : i32, i32
  }
  func.func @transform_4(%arg0: i32) -> (i32, i32) {
    %c0_i32 = arith.constant 0 : i32
    %c0_i32_0 = arith.constant 0 : i32
    %c0_i32_1 = arith.constant 0 : i32
    return %c0_i32, %c0_i32_0 : i32, i32
  }
  func.func @transform_5(%arg0: i32) -> (i32, i32) {
    %c0_i32 = arith.constant 0 : i32
    %c0_i32_0 = arith.constant 0 : i32
    %c0_i32_1 = arith.constant 0 : i32
    return %c0_i32, %c0_i32_0 : i32, i32
  }
  func.func @transform_6(%arg0: i32) -> (i32, i32) {
    %c0_i32 = arith.constant 0 : i32
    %c0_i32_0 = arith.constant 0 : i32
    %c0_i32_1 = arith.constant 0 : i32
    return %c0_i32, %c0_i32_0 : i32, i32
  }
  func.func @transform_7(%arg0: i32) -> (i32, i32) {
    %c0_i32 = arith.constant 0 : i32
    %c0_i32_0 = arith.constant 0 : i32
    %c0_i32_1 = arith.constant 0 : i32
    return %c0_i32, %c0_i32_0 : i32, i32
  }
  func.func @transform_8(%arg0: i32) -> (i32, i32, i32) {
    %c0_i32 = arith.constant 0 : i32
    %c0_i32_0 = arith.constant 0 : i32
    %c0_i32_1 = arith.constant 0 : i32
    return %arg0, %c0_i32, %c0_i32_0 : i32, i32, i32
  }
  func.func @transform_9(%arg0: i32) -> (i32, i32, i32) {
    %c0_i32 = arith.constant 0 : i32
    %c0_i32_0 = arith.constant 0 : i32
    %c0_i32_1 = arith.constant 0 : i32
    return %arg0, %c0_i32, %c0_i32_0 : i32, i32, i32
  }
  func.func @transform_10(%arg0: i32) -> (i32, i32, i32) {
    %c0_i32 = arith.constant 0 : i32
    %c0_i32_0 = arith.constant 0 : i32
    %c0_i32_1 = arith.constant 0 : i32
    return %arg0, %c0_i32, %c0_i32_0 : i32, i32, i32
  }
  func.func @transform_11(%arg0: i32) -> (i32, i32, i32, i32) {
    %c0_i32 = arith.constant 0 : i32
    %c0_i32_0 = arith.constant 0 : i32
    %c0_i32_1 = arith.constant 0 : i32
    %c0_i32_2 = arith.constant 0 : i32
    return %arg0, %c0_i32, %c0_i32_0, %c0_i32_1 : i32, i32, i32, i32
  }
}

module attributes {stable_mosaic.version = 14 : i64} {
  func.func @_stage2_body(%arg0: i32, %arg1: memref<1x512x1024xf32, #tpu.memory_space<vmem>>, %arg2: memref<1x8x256x128xf32, #tpu.memory_space<vmem>>, %arg3: memref<384x512xf32, #tpu.memory_space<vmem>>, %arg4: memref<1x384x1024xf32, #tpu.memory_space<vmem>>, %arg5: memref<1x1xf32, #tpu.memory_space<vmem>>, %arg6: memref<1x384x1024xf32, #tpu.memory_space<vmem>>) attributes {dimension_semantics = [#tpu.dimension_semantics<arbitrary>], iteration_bounds = array<i64: 4>, scalar_prefetch = 0 : i64, scratch_operands = 0 : i64, tpu.core_type = #tpu.core_type<tc>, window_params = [{transform_indices = @transform_0, window_bounds = array<i64: 1, 512, 1024>}, {transform_indices = @transform_1, window_bounds = array<i64: 1, 8, 256, 128>}, {pipeline_mode = #tpu.pipeline_mode<synchronous>, transform_indices = @transform_2, window_bounds = array<i64: 384, 512>}, {transform_indices = @transform_3, window_bounds = array<i64: 1, 384, 1024>}, {pipeline_mode = #tpu.pipeline_mode<synchronous>, transform_indices = @transform_4, window_bounds = array<i64: 1, 1>}, {transform_indices = @transform_5, window_bounds = array<i64: 1, 384, 1024>}]} {
    %broadcast_in_dim3A = arith.constant 1.000000e+00 : f32
    %broadcast_in_dim3A_0 = vector.broadcast %broadcast_in_dim3A : f32 to vector<1x256xf32>
    %get3A = arith.constant 0 : index
    %get3A_1 = arith.constant 0 : index
    %get3A_2 = arith.constant 0 : index
    %get3A_3 = vector.load %arg1[%get3A, %get3A_1, %get3A_2] : memref<1x512x1024xf32, #tpu.memory_space<vmem>>, vector<1x512x1024xf32>
    %get3A_4 = vector.shape_cast %get3A_3 : vector<1x512x1024xf32> to vector<512x1024xf32>
    %slice3A = vector.extract_strided_slice %get3A_4 {offsets = [0, 0], sizes = [64, 1024], strides = [1, 1]} : vector<512x1024xf32> to vector<64x1024xf32>
    %get3A_5 = arith.constant 0 : index
    %get3A_6 = arith.constant 0 : index
    %get3A_7 = arith.constant 0 : index
    %get3A_8 = arith.constant 0 : index
    %get3A_9 = vector.load %arg2[%get3A_5, %get3A_6, %get3A_7, %get3A_8] : memref<1x8x256x128xf32, #tpu.memory_space<vmem>>, vector<1x1x256x128xf32>
    %get3A_10 = vector.shape_cast %get3A_9 : vector<1x1x256x128xf32> to vector<256x128xf32>
    %slice3A_11 = vector.extract_strided_slice %get3A_10 {offsets = [0, 0], sizes = [256, 64], strides = [1, 1]} : vector<256x128xf32> to vector<256x64xf32>
    %slice3A_12 = vector.extract_strided_slice %get3A_10 {offsets = [0, 64], sizes = [256, 64], strides = [1, 1]} : vector<256x128xf32> to vector<256x64xf32>
    %dot_general3A = arith.constant dense<0.000000e+00> : vector<1024x256xf32>
    %dot_general3A_13 = tpu.matmul %slice3A, %slice3A_11, %dot_general3A {dimension_numbers = #tpu.dot_dimension_numbers<[0], [1], [1], [0], [0, 1, 1, 0], [], []>, transpose_lhs_hint = false} : vector<64x1024xf32>, vector<256x64xf32>, vector<1024x256xf32> -> vector<1024x256xf32>
    %exp3A = math.exp %dot_general3A_13 : vector<1024x256xf32>
    %dot_general3A_14 = arith.constant dense<0.000000e+00> : vector<1x1024xf32>
    %dot_general3A_15 = tpu.matmul %broadcast_in_dim3A_0, %exp3A, %dot_general3A_14 {dimension_numbers = #tpu.dot_dimension_numbers<[1], [1], [0], [0], [0, 0, 1, 0], [], []>, transpose_lhs_hint = false} : vector<1x256xf32>, vector<1024x256xf32>, vector<1x1024xf32> -> vector<1x1024xf32>
    %dot_general3A_16 = arith.constant dense<0.000000e+00> : vector<64x1024xf32>
    %dot_general3A_17 = tpu.matmul %slice3A_12, %exp3A, %dot_general3A_16 {dimension_numbers = #tpu.dot_dimension_numbers<[0], [1], [1], [0], [0, 1, 1, 0], [], []>, transpose_lhs_hint = false} : vector<256x64xf32>, vector<1024x256xf32>, vector<64x1024xf32> -> vector<64x1024xf32>
    %div3A = arith.constant 1.000000e+00 : f32
    %div3A_18 = vector.broadcast %div3A : f32 to vector<1x1024xf32>
    %div3A_19 = arith.divf %div3A_18, %dot_general3A_15 : vector<1x1024xf32>
    %mul3A = vector.broadcast %div3A_19 : vector<1x1024xf32> to vector<64x1024xf32>
    %mul3A_20 = arith.mulf %dot_general3A_17, %mul3A : vector<64x1024xf32>
    %get3A_21 = arith.constant 0 : index
    %get3A_22 = arith.constant 0 : index
    %get3A_23 = arith.constant 0 : index
    %get3A_24 = vector.load %arg1[%get3A_21, %get3A_22, %get3A_23] : memref<1x512x1024xf32, #tpu.memory_space<vmem>>, vector<1x512x1024xf32>
    %get3A_25 = vector.shape_cast %get3A_24 : vector<1x512x1024xf32> to vector<512x1024xf32>
    %slice3A_26 = vector.extract_strided_slice %get3A_25 {offsets = [64, 0], sizes = [64, 1024], strides = [1, 1]} : vector<512x1024xf32> to vector<64x1024xf32>
    %get3A_27 = arith.constant 0 : index
    %get3A_28 = arith.constant 1 : index
    %get3A_29 = arith.constant 0 : index
    %get3A_30 = arith.constant 0 : index
    %get3A_31 = vector.load %arg2[%get3A_27, %get3A_28, %get3A_29, %get3A_30] : memref<1x8x256x128xf32, #tpu.memory_space<vmem>>, vector<1x1x256x128xf32>
    %get3A_32 = vector.shape_cast %get3A_31 : vector<1x1x256x128xf32> to vector<256x128xf32>
    %slice3A_33 = vector.extract_strided_slice %get3A_32 {offsets = [0, 0], sizes = [256, 64], strides = [1, 1]} : vector<256x128xf32> to vector<256x64xf32>
    %slice3A_34 = vector.extract_strided_slice %get3A_32 {offsets = [0, 64], sizes = [256, 64], strides = [1, 1]} : vector<256x128xf32> to vector<256x64xf32>
    %dot_general3A_35 = arith.constant dense<0.000000e+00> : vector<1024x256xf32>
    %dot_general3A_36 = tpu.matmul %slice3A_26, %slice3A_33, %dot_general3A_35 {dimension_numbers = #tpu.dot_dimension_numbers<[0], [1], [1], [0], [0, 1, 1, 0], [], []>, transpose_lhs_hint = false} : vector<64x1024xf32>, vector<256x64xf32>, vector<1024x256xf32> -> vector<1024x256xf32>
    %exp3A_37 = math.exp %dot_general3A_36 : vector<1024x256xf32>
    %dot_general3A_38 = arith.constant dense<0.000000e+00> : vector<1x1024xf32>
    %dot_general3A_39 = tpu.matmul %broadcast_in_dim3A_0, %exp3A_37, %dot_general3A_38 {dimension_numbers = #tpu.dot_dimension_numbers<[1], [1], [0], [0], [0, 0, 1, 0], [], []>, transpose_lhs_hint = false} : vector<1x256xf32>, vector<1024x256xf32>, vector<1x1024xf32> -> vector<1x1024xf32>
    %dot_general3A_40 = arith.constant dense<0.000000e+00> : vector<64x1024xf32>
    %dot_general3A_41 = tpu.matmul %slice3A_34, %exp3A_37, %dot_general3A_40 {dimension_numbers = #tpu.dot_dimension_numbers<[0], [1], [1], [0], [0, 1, 1, 0], [], []>, transpose_lhs_hint = false} : vector<256x64xf32>, vector<1024x256xf32>, vector<64x1024xf32> -> vector<64x1024xf32>
    %div3A_42 = arith.constant 1.000000e+00 : f32
    %div3A_43 = vector.broadcast %div3A_42 : f32 to vector<1x1024xf32>
    %div3A_44 = arith.divf %div3A_43, %dot_general3A_39 : vector<1x1024xf32>
    %mul3A_45 = vector.broadcast %div3A_44 : vector<1x1024xf32> to vector<64x1024xf32>
    %mul3A_46 = arith.mulf %dot_general3A_41, %mul3A_45 : vector<64x1024xf32>
    %get3A_47 = arith.constant 0 : index
    %get3A_48 = arith.constant 0 : index
    %get3A_49 = arith.constant 0 : index
    %get3A_50 = vector.load %arg1[%get3A_47, %get3A_48, %get3A_49] : memref<1x512x1024xf32, #tpu.memory_space<vmem>>, vector<1x512x1024xf32>
    %get3A_51 = vector.shape_cast %get3A_50 : vector<1x512x1024xf32> to vector<512x1024xf32>
    %slice3A_52 = vector.extract_strided_slice %get3A_51 {offsets = [128, 0], sizes = [64, 1024], strides = [1, 1]} : vector<512x1024xf32> to vector<64x1024xf32>
    %get3A_53 = arith.constant 0 : index
    %get3A_54 = arith.constant 2 : index
    %get3A_55 = arith.constant 0 : index
    %get3A_56 = arith.constant 0 : index
    %get3A_57 = vector.load %arg2[%get3A_53, %get3A_54, %get3A_55, %get3A_56] : memref<1x8x256x128xf32, #tpu.memory_space<vmem>>, vector<1x1x256x128xf32>
    %get3A_58 = vector.shape_cast %get3A_57 : vector<1x1x256x128xf32> to vector<256x128xf32>
    %slice3A_59 = vector.extract_strided_slice %get3A_58 {offsets = [0, 0], sizes = [256, 64], strides = [1, 1]} : vector<256x128xf32> to vector<256x64xf32>
    %slice3A_60 = vector.extract_strided_slice %get3A_58 {offsets = [0, 64], sizes = [256, 64], strides = [1, 1]} : vector<256x128xf32> to vector<256x64xf32>
    %dot_general3A_61 = arith.constant dense<0.000000e+00> : vector<1024x256xf32>
    %dot_general3A_62 = tpu.matmul %slice3A_52, %slice3A_59, %dot_general3A_61 {dimension_numbers = #tpu.dot_dimension_numbers<[0], [1], [1], [0], [0, 1, 1, 0], [], []>, transpose_lhs_hint = false} : vector<64x1024xf32>, vector<256x64xf32>, vector<1024x256xf32> -> vector<1024x256xf32>
    %exp3A_63 = math.exp %dot_general3A_62 : vector<1024x256xf32>
    %dot_general3A_64 = arith.constant dense<0.000000e+00> : vector<1x1024xf32>
    %dot_general3A_65 = tpu.matmul %broadcast_in_dim3A_0, %exp3A_63, %dot_general3A_64 {dimension_numbers = #tpu.dot_dimension_numbers<[1], [1], [0], [0], [0, 0, 1, 0], [], []>, transpose_lhs_hint = false} : vector<1x256xf32>, vector<1024x256xf32>, vector<1x1024xf32> -> vector<1x1024xf32>
    %dot_general3A_66 = arith.constant dense<0.000000e+00> : vector<64x1024xf32>
    %dot_general3A_67 = tpu.matmul %slice3A_60, %exp3A_63, %dot_general3A_66 {dimension_numbers = #tpu.dot_dimension_numbers<[0], [1], [1], [0], [0, 1, 1, 0], [], []>, transpose_lhs_hint = false} : vector<256x64xf32>, vector<1024x256xf32>, vector<64x1024xf32> -> vector<64x1024xf32>
    %div3A_68 = arith.constant 1.000000e+00 : f32
    %div3A_69 = vector.broadcast %div3A_68 : f32 to vector<1x1024xf32>
    %div3A_70 = arith.divf %div3A_69, %dot_general3A_65 : vector<1x1024xf32>
    %mul3A_71 = vector.broadcast %div3A_70 : vector<1x1024xf32> to vector<64x1024xf32>
    %mul3A_72 = arith.mulf %dot_general3A_67, %mul3A_71 : vector<64x1024xf32>
    %get3A_73 = arith.constant 0 : index
    %get3A_74 = arith.constant 0 : index
    %get3A_75 = arith.constant 0 : index
    %get3A_76 = vector.load %arg1[%get3A_73, %get3A_74, %get3A_75] : memref<1x512x1024xf32, #tpu.memory_space<vmem>>, vector<1x512x1024xf32>
    %get3A_77 = vector.shape_cast %get3A_76 : vector<1x512x1024xf32> to vector<512x1024xf32>
    %slice3A_78 = vector.extract_strided_slice %get3A_77 {offsets = [192, 0], sizes = [64, 1024], strides = [1, 1]} : vector<512x1024xf32> to vector<64x1024xf32>
    %get3A_79 = arith.constant 0 : index
    %get3A_80 = arith.constant 3 : index
    %get3A_81 = arith.constant 0 : index
    %get3A_82 = arith.constant 0 : index
    %get3A_83 = vector.load %arg2[%get3A_79, %get3A_80, %get3A_81, %get3A_82] : memref<1x8x256x128xf32, #tpu.memory_space<vmem>>, vector<1x1x256x128xf32>
    %get3A_84 = vector.shape_cast %get3A_83 : vector<1x1x256x128xf32> to vector<256x128xf32>
    %slice3A_85 = vector.extract_strided_slice %get3A_84 {offsets = [0, 0], sizes = [256, 64], strides = [1, 1]} : vector<256x128xf32> to vector<256x64xf32>
    %slice3A_86 = vector.extract_strided_slice %get3A_84 {offsets = [0, 64], sizes = [256, 64], strides = [1, 1]} : vector<256x128xf32> to vector<256x64xf32>
    %dot_general3A_87 = arith.constant dense<0.000000e+00> : vector<1024x256xf32>
    %dot_general3A_88 = tpu.matmul %slice3A_78, %slice3A_85, %dot_general3A_87 {dimension_numbers = #tpu.dot_dimension_numbers<[0], [1], [1], [0], [0, 1, 1, 0], [], []>, transpose_lhs_hint = false} : vector<64x1024xf32>, vector<256x64xf32>, vector<1024x256xf32> -> vector<1024x256xf32>
    %exp3A_89 = math.exp %dot_general3A_88 : vector<1024x256xf32>
    %dot_general3A_90 = arith.constant dense<0.000000e+00> : vector<1x1024xf32>
    %dot_general3A_91 = tpu.matmul %broadcast_in_dim3A_0, %exp3A_89, %dot_general3A_90 {dimension_numbers = #tpu.dot_dimension_numbers<[1], [1], [0], [0], [0, 0, 1, 0], [], []>, transpose_lhs_hint = false} : vector<1x256xf32>, vector<1024x256xf32>, vector<1x1024xf32> -> vector<1x1024xf32>
    %dot_general3A_92 = arith.constant dense<0.000000e+00> : vector<64x1024xf32>
    %dot_general3A_93 = tpu.matmul %slice3A_86, %exp3A_89, %dot_general3A_92 {dimension_numbers = #tpu.dot_dimension_numbers<[0], [1], [1], [0], [0, 1, 1, 0], [], []>, transpose_lhs_hint = false} : vector<256x64xf32>, vector<1024x256xf32>, vector<64x1024xf32> -> vector<64x1024xf32>
    %div3A_94 = arith.constant 1.000000e+00 : f32
    %div3A_95 = vector.broadcast %div3A_94 : f32 to vector<1x1024xf32>
    %div3A_96 = arith.divf %div3A_95, %dot_general3A_91 : vector<1x1024xf32>
    %mul3A_97 = vector.broadcast %div3A_96 : vector<1x1024xf32> to vector<64x1024xf32>
    %mul3A_98 = arith.mulf %dot_general3A_93, %mul3A_97 : vector<64x1024xf32>
    %get3A_99 = arith.constant 0 : index
    %get3A_100 = arith.constant 0 : index
    %get3A_101 = arith.constant 0 : index
    %get3A_102 = vector.load %arg1[%get3A_99, %get3A_100, %get3A_101] : memref<1x512x1024xf32, #tpu.memory_space<vmem>>, vector<1x512x1024xf32>
    %get3A_103 = vector.shape_cast %get3A_102 : vector<1x512x1024xf32> to vector<512x1024xf32>
    %slice3A_104 = vector.extract_strided_slice %get3A_103 {offsets = [256, 0], sizes = [64, 1024], strides = [1, 1]} : vector<512x1024xf32> to vector<64x1024xf32>
    %get3A_105 = arith.constant 0 : index
    %get3A_106 = arith.constant 4 : index
    %get3A_107 = arith.constant 0 : index
    %get3A_108 = arith.constant 0 : index
    %get3A_109 = vector.load %arg2[%get3A_105, %get3A_106, %get3A_107, %get3A_108] : memref<1x8x256x128xf32, #tpu.memory_space<vmem>>, vector<1x1x256x128xf32>
    %get3A_110 = vector.shape_cast %get3A_109 : vector<1x1x256x128xf32> to vector<256x128xf32>
    %slice3A_111 = vector.extract_strided_slice %get3A_110 {offsets = [0, 0], sizes = [256, 64], strides = [1, 1]} : vector<256x128xf32> to vector<256x64xf32>
    %slice3A_112 = vector.extract_strided_slice %get3A_110 {offsets = [0, 64], sizes = [256, 64], strides = [1, 1]} : vector<256x128xf32> to vector<256x64xf32>
    %dot_general3A_113 = arith.constant dense<0.000000e+00> : vector<1024x256xf32>
    %dot_general3A_114 = tpu.matmul %slice3A_104, %slice3A_111, %dot_general3A_113 {dimension_numbers = #tpu.dot_dimension_numbers<[0], [1], [1], [0], [0, 1, 1, 0], [], []>, transpose_lhs_hint = false} : vector<64x1024xf32>, vector<256x64xf32>, vector<1024x256xf32> -> vector<1024x256xf32>
    %exp3A_115 = math.exp %dot_general3A_114 : vector<1024x256xf32>
    %dot_general3A_116 = arith.constant dense<0.000000e+00> : vector<1x1024xf32>
    %dot_general3A_117 = tpu.matmul %broadcast_in_dim3A_0, %exp3A_115, %dot_general3A_116 {dimension_numbers = #tpu.dot_dimension_numbers<[1], [1], [0], [0], [0, 0, 1, 0], [], []>, transpose_lhs_hint = false} : vector<1x256xf32>, vector<1024x256xf32>, vector<1x1024xf32> -> vector<1x1024xf32>
    %dot_general3A_118 = arith.constant dense<0.000000e+00> : vector<64x1024xf32>
    %dot_general3A_119 = tpu.matmul %slice3A_112, %exp3A_115, %dot_general3A_118 {dimension_numbers = #tpu.dot_dimension_numbers<[0], [1], [1], [0], [0, 1, 1, 0], [], []>, transpose_lhs_hint = false} : vector<256x64xf32>, vector<1024x256xf32>, vector<64x1024xf32> -> vector<64x1024xf32>
    %div3A_120 = arith.constant 1.000000e+00 : f32
    %div3A_121 = vector.broadcast %div3A_120 : f32 to vector<1x1024xf32>
    %div3A_122 = arith.divf %div3A_121, %dot_general3A_117 : vector<1x1024xf32>
    %mul3A_123 = vector.broadcast %div3A_122 : vector<1x1024xf32> to vector<64x1024xf32>
    %mul3A_124 = arith.mulf %dot_general3A_119, %mul3A_123 : vector<64x1024xf32>
    %get3A_125 = arith.constant 0 : index
    %get3A_126 = arith.constant 0 : index
    %get3A_127 = arith.constant 0 : index
    %get3A_128 = vector.load %arg1[%get3A_125, %get3A_126, %get3A_127] : memref<1x512x1024xf32, #tpu.memory_space<vmem>>, vector<1x512x1024xf32>
    %get3A_129 = vector.shape_cast %get3A_128 : vector<1x512x1024xf32> to vector<512x1024xf32>
    %slice3A_130 = vector.extract_strided_slice %get3A_129 {offsets = [320, 0], sizes = [64, 1024], strides = [1, 1]} : vector<512x1024xf32> to vector<64x1024xf32>
    %get3A_131 = arith.constant 0 : index
    %get3A_132 = arith.constant 5 : index
    %get3A_133 = arith.constant 0 : index
    %get3A_134 = arith.constant 0 : index
    %get3A_135 = vector.load %arg2[%get3A_131, %get3A_132, %get3A_133, %get3A_134] : memref<1x8x256x128xf32, #tpu.memory_space<vmem>>, vector<1x1x256x128xf32>
    %get3A_136 = vector.shape_cast %get3A_135 : vector<1x1x256x128xf32> to vector<256x128xf32>
    %slice3A_137 = vector.extract_strided_slice %get3A_136 {offsets = [0, 0], sizes = [256, 64], strides = [1, 1]} : vector<256x128xf32> to vector<256x64xf32>
    %slice3A_138 = vector.extract_strided_slice %get3A_136 {offsets = [0, 64], sizes = [256, 64], strides = [1, 1]} : vector<256x128xf32> to vector<256x64xf32>
    %dot_general3A_139 = arith.constant dense<0.000000e+00> : vector<1024x256xf32>
    %dot_general3A_140 = tpu.matmul %slice3A_130, %slice3A_137, %dot_general3A_139 {dimension_numbers = #tpu.dot_dimension_numbers<[0], [1], [1], [0], [0, 1, 1, 0], [], []>, transpose_lhs_hint = false} : vector<64x1024xf32>, vector<256x64xf32>, vector<1024x256xf32> -> vector<1024x256xf32>
    %exp3A_141 = math.exp %dot_general3A_140 : vector<1024x256xf32>
    %dot_general3A_142 = arith.constant dense<0.000000e+00> : vector<1x1024xf32>
    %dot_general3A_143 = tpu.matmul %broadcast_in_dim3A_0, %exp3A_141, %dot_general3A_142 {dimension_numbers = #tpu.dot_dimension_numbers<[1], [1], [0], [0], [0, 0, 1, 0], [], []>, transpose_lhs_hint = false} : vector<1x256xf32>, vector<1024x256xf32>, vector<1x1024xf32> -> vector<1x1024xf32>
    %dot_general3A_144 = arith.constant dense<0.000000e+00> : vector<64x1024xf32>
    %dot_general3A_145 = tpu.matmul %slice3A_138, %exp3A_141, %dot_general3A_144 {dimension_numbers = #tpu.dot_dimension_numbers<[0], [1], [1], [0], [0, 1, 1, 0], [], []>, transpose_lhs_hint = false} : vector<256x64xf32>, vector<1024x256xf32>, vector<64x1024xf32> -> vector<64x1024xf32>
    %div3A_146 = arith.constant 1.000000e+00 : f32
    %div3A_147 = vector.broadcast %div3A_146 : f32 to vector<1x1024xf32>
    %div3A_148 = arith.divf %div3A_147, %dot_general3A_143 : vector<1x1024xf32>
    %mul3A_149 = vector.broadcast %div3A_148 : vector<1x1024xf32> to vector<64x1024xf32>
    %mul3A_150 = arith.mulf %dot_general3A_145, %mul3A_149 : vector<64x1024xf32>
    %get3A_151 = arith.constant 0 : index
    %get3A_152 = arith.constant 0 : index
    %get3A_153 = arith.constant 0 : index
    %get3A_154 = vector.load %arg1[%get3A_151, %get3A_152, %get3A_153] : memref<1x512x1024xf32, #tpu.memory_space<vmem>>, vector<1x512x1024xf32>
    %get3A_155 = vector.shape_cast %get3A_154 : vector<1x512x1024xf32> to vector<512x1024xf32>
    %slice3A_156 = vector.extract_strided_slice %get3A_155 {offsets = [384, 0], sizes = [64, 1024], strides = [1, 1]} : vector<512x1024xf32> to vector<64x1024xf32>
    %get3A_157 = arith.constant 0 : index
    %get3A_158 = arith.constant 6 : index
    %get3A_159 = arith.constant 0 : index
    %get3A_160 = arith.constant 0 : index
    %get3A_161 = vector.load %arg2[%get3A_157, %get3A_158, %get3A_159, %get3A_160] : memref<1x8x256x128xf32, #tpu.memory_space<vmem>>, vector<1x1x256x128xf32>
    %get3A_162 = vector.shape_cast %get3A_161 : vector<1x1x256x128xf32> to vector<256x128xf32>
    %slice3A_163 = vector.extract_strided_slice %get3A_162 {offsets = [0, 0], sizes = [256, 64], strides = [1, 1]} : vector<256x128xf32> to vector<256x64xf32>
    %slice3A_164 = vector.extract_strided_slice %get3A_162 {offsets = [0, 64], sizes = [256, 64], strides = [1, 1]} : vector<256x128xf32> to vector<256x64xf32>
    %dot_general3A_165 = arith.constant dense<0.000000e+00> : vector<1024x256xf32>
    %dot_general3A_166 = tpu.matmul %slice3A_156, %slice3A_163, %dot_general3A_165 {dimension_numbers = #tpu.dot_dimension_numbers<[0], [1], [1], [0], [0, 1, 1, 0], [], []>, transpose_lhs_hint = false} : vector<64x1024xf32>, vector<256x64xf32>, vector<1024x256xf32> -> vector<1024x256xf32>
    %exp3A_167 = math.exp %dot_general3A_166 : vector<1024x256xf32>
    %dot_general3A_168 = arith.constant dense<0.000000e+00> : vector<1x1024xf32>
    %dot_general3A_169 = tpu.matmul %broadcast_in_dim3A_0, %exp3A_167, %dot_general3A_168 {dimension_numbers = #tpu.dot_dimension_numbers<[1], [1], [0], [0], [0, 0, 1, 0], [], []>, transpose_lhs_hint = false} : vector<1x256xf32>, vector<1024x256xf32>, vector<1x1024xf32> -> vector<1x1024xf32>
    %dot_general3A_170 = arith.constant dense<0.000000e+00> : vector<64x1024xf32>
    %dot_general3A_171 = tpu.matmul %slice3A_164, %exp3A_167, %dot_general3A_170 {dimension_numbers = #tpu.dot_dimension_numbers<[0], [1], [1], [0], [0, 1, 1, 0], [], []>, transpose_lhs_hint = false} : vector<256x64xf32>, vector<1024x256xf32>, vector<64x1024xf32> -> vector<64x1024xf32>
    %div3A_172 = arith.constant 1.000000e+00 : f32
    %div3A_173 = vector.broadcast %div3A_172 : f32 to vector<1x1024xf32>
    %div3A_174 = arith.divf %div3A_173, %dot_general3A_169 : vector<1x1024xf32>
    %mul3A_175 = vector.broadcast %div3A_174 : vector<1x1024xf32> to vector<64x1024xf32>
    %mul3A_176 = arith.mulf %dot_general3A_171, %mul3A_175 : vector<64x1024xf32>
    %get3A_177 = arith.constant 0 : index
    %get3A_178 = arith.constant 0 : index
    %get3A_179 = arith.constant 0 : index
    %get3A_180 = vector.load %arg1[%get3A_177, %get3A_178, %get3A_179] : memref<1x512x1024xf32, #tpu.memory_space<vmem>>, vector<1x512x1024xf32>
    %get3A_181 = vector.shape_cast %get3A_180 : vector<1x512x1024xf32> to vector<512x1024xf32>
    %slice3A_182 = vector.extract_strided_slice %get3A_181 {offsets = [448, 0], sizes = [64, 1024], strides = [1, 1]} : vector<512x1024xf32> to vector<64x1024xf32>
    %get3A_183 = arith.constant 0 : index
    %get3A_184 = arith.constant 7 : index
    %get3A_185 = arith.constant 0 : index
    %get3A_186 = arith.constant 0 : index
    %get3A_187 = vector.load %arg2[%get3A_183, %get3A_184, %get3A_185, %get3A_186] : memref<1x8x256x128xf32, #tpu.memory_space<vmem>>, vector<1x1x256x128xf32>
    %get3A_188 = vector.shape_cast %get3A_187 : vector<1x1x256x128xf32> to vector<256x128xf32>
    %slice3A_189 = vector.extract_strided_slice %get3A_188 {offsets = [0, 0], sizes = [256, 64], strides = [1, 1]} : vector<256x128xf32> to vector<256x64xf32>
    %slice3A_190 = vector.extract_strided_slice %get3A_188 {offsets = [0, 64], sizes = [256, 64], strides = [1, 1]} : vector<256x128xf32> to vector<256x64xf32>
    %dot_general3A_191 = arith.constant dense<0.000000e+00> : vector<1024x256xf32>
    %dot_general3A_192 = tpu.matmul %slice3A_182, %slice3A_189, %dot_general3A_191 {dimension_numbers = #tpu.dot_dimension_numbers<[0], [1], [1], [0], [0, 1, 1, 0], [], []>, transpose_lhs_hint = false} : vector<64x1024xf32>, vector<256x64xf32>, vector<1024x256xf32> -> vector<1024x256xf32>
    %exp3A_193 = math.exp %dot_general3A_192 : vector<1024x256xf32>
    %dot_general3A_194 = arith.constant dense<0.000000e+00> : vector<1x1024xf32>
    %dot_general3A_195 = tpu.matmul %broadcast_in_dim3A_0, %exp3A_193, %dot_general3A_194 {dimension_numbers = #tpu.dot_dimension_numbers<[1], [1], [0], [0], [0, 0, 1, 0], [], []>, transpose_lhs_hint = false} : vector<1x256xf32>, vector<1024x256xf32>, vector<1x1024xf32> -> vector<1x1024xf32>
    %dot_general3A_196 = arith.constant dense<0.000000e+00> : vector<64x1024xf32>
    %dot_general3A_197 = tpu.matmul %slice3A_190, %exp3A_193, %dot_general3A_196 {dimension_numbers = #tpu.dot_dimension_numbers<[0], [1], [1], [0], [0, 1, 1, 0], [], []>, transpose_lhs_hint = false} : vector<256x64xf32>, vector<1024x256xf32>, vector<64x1024xf32> -> vector<64x1024xf32>
    %div3A_198 = arith.constant 1.000000e+00 : f32
    %div3A_199 = vector.broadcast %div3A_198 : f32 to vector<1x1024xf32>
    %div3A_200 = arith.divf %div3A_199, %dot_general3A_195 : vector<1x1024xf32>
    %mul3A_201 = vector.broadcast %div3A_200 : vector<1x1024xf32> to vector<64x1024xf32>
    %mul3A_202 = arith.mulf %dot_general3A_197, %mul3A_201 : vector<64x1024xf32>
    %concatenate3A = tpu.concatenate %mul3A_20, %mul3A_46, %mul3A_72, %mul3A_98, %mul3A_124, %mul3A_150, %mul3A_176, %mul3A_202 in 0 : vector<64x1024xf32>, vector<64x1024xf32>, vector<64x1024xf32>, vector<64x1024xf32>, vector<64x1024xf32>, vector<64x1024xf32>, vector<64x1024xf32>, vector<64x1024xf32> -> vector<512x1024xf32>
    %get3A_203 = arith.constant 0 : index
    %get3A_204 = arith.constant 0 : index
    %get3A_205 = vector.load %arg3[%get3A_203, %get3A_204] : memref<384x512xf32, #tpu.memory_space<vmem>>, vector<384x512xf32>
    %dot_general3A_206 = arith.constant dense<0.000000e+00> : vector<384x1024xf32>
    %dot_general3A_207 = tpu.matmul %get3A_205, %concatenate3A, %dot_general3A_206 {dimension_numbers = #tpu.dot_dimension_numbers<[1], [0], [0], [1], [0, 0, 1, 1], [], []>, transpose_lhs_hint = false} : vector<384x512xf32>, vector<512x1024xf32>, vector<384x1024xf32> -> vector<384x1024xf32>
    %get3A_208 = arith.constant 0 : index
    %get3A_209 = arith.constant 0 : index
    %get3A_210 = vector.load %arg5[%get3A_208, %get3A_209] : memref<1x1xf32, #tpu.memory_space<vmem>>, vector<1x1xf32>
    %get3A_211 = vector.extract %get3A_210[0, 0] : f32 from vector<1x1xf32>
    %mul3A_212 = vector.broadcast %get3A_211 : f32 to vector<384x1024xf32>
    %mul3A_213 = arith.mulf %mul3A_212, %dot_general3A_207 : vector<384x1024xf32>
    %get3A_214 = arith.constant 0 : index
    %get3A_215 = arith.constant 0 : index
    %get3A_216 = arith.constant 0 : index
    %get3A_217 = vector.load %arg4[%get3A_214, %get3A_215, %get3A_216] : memref<1x384x1024xf32, #tpu.memory_space<vmem>>, vector<1x384x1024xf32>
    %get3A_218 = vector.shape_cast %get3A_217 : vector<1x384x1024xf32> to vector<384x1024xf32>
    %add3A = arith.addf %mul3A_213, %get3A_218 : vector<384x1024xf32>
    %swap3A = arith.constant 0 : index
    %swap3A_219 = arith.constant 0 : index
    %swap3A_220 = arith.constant 0 : index
    %swap3A_221 = vector.load %arg6[%swap3A, %swap3A_219, %swap3A_220] : memref<1x384x1024xf32, #tpu.memory_space<vmem>>, vector<1x384x1024xf32>
    %swap3A_222 = vector.shape_cast %swap3A_221 : vector<1x384x1024xf32> to vector<384x1024xf32>
    %swap3A_223 = vector.shape_cast %add3A : vector<384x1024xf32> to vector<1x384x1024xf32>
    tpu.vector_store %arg6[%swap3A, %swap3A_219, %swap3A_220], %swap3A_223 {strides = array<i32>} : memref<1x384x1024xf32, #tpu.memory_space<vmem>>, vector<1x384x1024xf32>,
    return
  }
  func.func @transform_0(%arg0: i32) -> (i32, i32, i32) {
    %c0_i32 = arith.constant 0 : i32
    %c0_i32_0 = arith.constant 0 : i32
    %c0_i32_1 = arith.constant 0 : i32
    return %arg0, %c0_i32, %c0_i32_0 : i32, i32, i32
  }
  func.func @transform_1(%arg0: i32) -> (i32, i32, i32, i32) {
    %c0_i32 = arith.constant 0 : i32
    %c0_i32_0 = arith.constant 0 : i32
    %c0_i32_1 = arith.constant 0 : i32
    %c0_i32_2 = arith.constant 0 : i32
    return %arg0, %c0_i32, %c0_i32_0, %c0_i32_1 : i32, i32, i32, i32
  }
  func.func @transform_2(%arg0: i32) -> (i32, i32) {
    %c0_i32 = arith.constant 0 : i32
    %c0_i32_0 = arith.constant 0 : i32
    %c0_i32_1 = arith.constant 0 : i32
    return %c0_i32, %c0_i32_0 : i32, i32
  }
  func.func @transform_3(%arg0: i32) -> (i32, i32, i32) {
    %c0_i32 = arith.constant 0 : i32
    %c0_i32_0 = arith.constant 0 : i32
    %c0_i32_1 = arith.constant 0 : i32
    return %arg0, %c0_i32, %c0_i32_0 : i32, i32, i32
  }
  func.func @transform_4(%arg0: i32) -> (i32, i32) {
    %c0_i32 = arith.constant 0 : i32
    %c0_i32_0 = arith.constant 0 : i32
    %c0_i32_1 = arith.constant 0 : i32
    return %c0_i32, %c0_i32_0 : i32, i32
  }
  func.func @transform_5(%arg0: i32) -> (i32, i32, i32) {
    %c0_i32 = arith.constant 0 : i32
    %c0_i32_0 = arith.constant 0 : i32
    %c0_i32_1 = arith.constant 0 : i32
    return %arg0, %c0_i32, %c0_i32_0 : i32, i32, i32
  }
}

</mosaic_0001>

<sc_bundles>
// kernel: kernel.5.cloned.1.call-start
scs
__scs_entry_jumppad:
0x0: {  	(pc) =	sbr.rel $0x88, $3  }
0x1: {  	(tag) =	ssettag $0x0;
	lr =	simm.s32 $0x1  }
0x2: {  	[smem:$0x3F97] =	sst lr;
	_ =	strace $0xD0000000  }
0x3: {  	_ = 	snop  }
0x4: {  	_ = 	snop  }
0x5: {  	_ = 	snop  }
0x6: {  	_ = 	snop  }
0x7: {  	_ = 	snop  }
__scs_overlays_trampoline_lowered:
0x8: {  	[smem:$0x3FA6] =	sst s0  }
0x9: {  	[smem:$0x3FA7] =	sst s1  }
0xa: {  	[smem:$0x3FA8] =	sst s2  }
0xb: {  	[smem:$0x3FA9] =	sst s3  }
0xc: {  	[smem:$0x3FAA] =	sst s4  }
0xd: {  	[smem:$0x3FAB] =	sst s5  }
0xe: {  	[smem:$0x3FAC] =	sst s6  }
0xf: {  	[smem:$0x3FAD] =	sst s7  }
0x10: {  	[smem:$0x3FAE] =	sst s8  }
0x11: {  	[smem:$0x3FAF] =	sst s9;
	s0 =	simm.s32 @!p0 $0x0  }
0x12: {  	s1 =	sld [smem:$0x3F95];
	s0 =	simm.s32 @p0 $0x1  }
0x13: {  	[smem:$0x3FB0] =	sst s0;
	s0 =	simm.s32 @!p1 $0x0  }
0x14: {  	s2 =	sld [smem:$0x3F94];
	s0 =	simm.s32 @p1 $0x1  }
0x15: {  	[smem:$0x3FB1] =	sst s0;
	s0 =	simm.s32 @!p2 $0x0  }
0x16: {  	s3 =	sld [smem:$0x3FDB];
	s0 =	simm.s32 @p2 $0x1  }
0x17: {  	s4 =	simm.s32 $0x1BF5;
	[smem:$0x3FB3] =	sst s0  }
0x18: {  	s0 =	sld [smem:$0x3F96];
	_ =	swait.ge [sflag:s4], $0x0  }
0x19: {  	s7 =	sld [smem:$0x3F97]  }
0x1a: {  	s8 =	sadd.s32 $0xFFFFE003, lr  }
0x1b: {  	s9 =	sadd.s32 $0xFFFFFEF7, lr;
	s5 =	simm.s32 $0xFFFFFFFF;
	p2 =	slt.u32 s8, $0xFFFFF086  }
0x1c: {  	p1 =	slt.u32 s9, $0xF7A;
	s5 =	simm.s32 @!p2 $0x0  }
0x1d: {  	s5 =	simm.s32 @p1 $0x1;
	p0 =	seq.s32 s7, s2  }
0x1e: {  	s7 =	smul.u32 @!p0 $0xF7A, s2;
	p2 =	seq.s32 @!p0 s5, $0x0  }
0x1f: {  	s9 =	smul.u32 $0xF7A, s1;
	s8 =	simm.s32 @!p0 $0x1BF5;
	p2 =	por !p2, p0  }
0x20: {  	[sflag:s8] =	ssyncset.s32 @!p0 $0xFFFFF086;
	s6 =	sadd.s32 @!p0 s3, s7;
	s7 =	simm.s32 @!p0 $0x108  }
0x21: {  	s3 =	sadd.s32 s3, s9;
	s6 =	sadd.s32 @!p0 $0x88, s6;
	s7 =	simm.s32 @p2 $0x1082  }
0x22: {  	[simem:s7], [sflag:s8] =	dma.local @!p0 [hbm:s6], $0xF7A  }
0x23: {  	s9 =	sor.u32 $0xD0000000, s2;
	s6 =	simm.s32 $0x108;
	_ =	swait.ge @!p0 [sflag:s8], $0x0  }
0x24: {  	s3 =	sadd.s32 $0x88, s3;
	s6 =	simm.s32 @!p1 $0x1082;
	[sflag:s4] =	ssyncset.s32 $0xFFFFF086  }
0x25: {  	[simem:s6], [sflag:s4] =	dma.local [hbm:s3], $0xF7A  }
0x26: {  	[smem:$0x3F97] =	sst s1;
	(tag) =	ssettag s2;
	_ =	strace s9  }
0x27: {  	s1 =	sld [smem:$0x3FA7]  }
0x28: {  	s2 =	sld [smem:$0x3FA8]  }
0x29: {  	s4 =	sld [smem:$0x3FAA]  }
0x2a: {  	p0 =	seq.s32 s5, $0x0;
	s5 =	sld [smem:$0x3FAB]  }
0x2b: {  	s6 =	sld [smem:$0x3FAC]  }
0x2c: {  	s7 =	sld [smem:$0x3FAD]  }
0x2d: {  	s3 =	simm.s32 $0x108;
	s8 =	sld [smem:$0x3FAE]  }
0x2e: {  	s3 =	simm.s32 @!p0 $0x1082;
	s9 =	sld [smem:$0x3FAF]  }
0x2f: {  	lr =	sadd.s32 s0, s3;
	s0 =	sld [smem:$0x3FA6]  }
0x30: {  	s3 =	sld [smem:$0x3FA9]  }
0x31: {  	[smem:$0x3FB2] =	sst s10  }
0x32: {  	s10 =	sld [smem:$0x3FB0];
	_ =	sdelay $0x3  }
0x33: {  	p0 =	seq.s32 s10, $0x1;
	s10 =	sld [smem:$0x3FB2];
	_ =	sdelay $0x3  }
0x34: {  	[smem:$0x3FB2] =	sst s10  }
0x35: {  	s10 =	sld [smem:$0x3FB1];
	_ =	sdelay $0x3  }
0x36: {  	p1 =	seq.s32 s10, $0x1;
	s10 =	sld [smem:$0x3FB2];
	_ =	sdelay $0x3  }
0x37: {  	[smem:$0x3FB2] =	sst s10  }
0x38: {  	s10 =	sld [smem:$0x3FB3]  }
0x39: {  	_ = 	snop;
	(pc) =	sbr.ind lr, $3  }
0x3a: {  	_ = 	snop  }
0x3b: {  	_ = 	snop  }
0x3c: {  	p2 =	seq.s32 s10, $0x1;
	s10 =	sld [smem:$0x3FB2]  }
0x3d: {  	_ =	shalt  }
0x3e: {  	_ =	shalt  }
0x3f: {  	_ =	shalt  }
0x40: {  	_ =	shalt  }
0x41: {  	_ =	shalt  }
0x42: {  	_ =	shalt  }
0x43: {  	_ =	shalt  }
0x44: {  	_ =	shalt  }
0x45: {  	_ =	shalt  }
0x46: {  	_ =	shalt  }
0x47: {  	_ =	shalt  }
0x48: {  	_ =	shalt  }
0x49: {  	_ =	shalt  }
0x4a: {  	_ =	shalt  }
0x4b: {  	_ =	shalt  }
0x4c: {  	_ =	shalt  }
0x4d: {  	_ =	shalt  }
0x4e: {  	_ =	shalt  }
0x4f: {  	_ =	shalt  }
0x50: {  	_ =	shalt  }
0x51: {  	_ =	shalt  }
0x52: {  	_ =	shalt  }
0x53: {  	_ =	shalt  }
0x54: {  	_ =	shalt  }
0x55: {  	_ =	shalt  }
0x56: {  	_ =	shalt  }
0x57: {  	_ =	shalt  }
0x58: {  	_ =	shalt  }
0x59: {  	_ =	shalt  }
0x5a: {  	_ =	shalt  }
0x5b: {  	_ =	shalt  }
0x5c: {  	_ =	shalt  }
0x5d: {  	_ =	shalt  }
0x5e: {  	_ =	shalt  }
0x5f: {  	_ =	shalt  }
0x60: {  	_ =	shalt  }
0x61: {  	_ =	shalt  }
0x62: {  	_ =	shalt  }
0x63: {  	_ =	shalt  }
0x64: {  	_ =	shalt  }
0x65: {  	_ =	shalt  }
0x66: {  	_ =	shalt  }
0x67: {  	_ =	shalt  }
0x68: {  	_ =	shalt  }
0x69: {  	_ =	shalt  }
0x6a: {  	_ =	shalt  }
0x6b: {  	_ =	shalt  }
0x6c: {  	_ =	shalt  }
0x6d: {  	_ =	shalt  }
0x6e: {  	_ =	shalt  }
0x6f: {  	_ =	shalt  }
0x70: {  	_ =	shalt  }
0x71: {  	_ =	shalt  }
0x72: {  	_ =	shalt  }
0x73: {  	_ =	shalt  }
0x74: {  	_ =	shalt  }
0x75: {  	_ =	shalt  }
0x76: {  	_ =	shalt  }
0x77: {  	_ =	shalt  }
0x78: {  	_ =	shalt  }
0x79: {  	_ =	shalt  }
0x7a: {  	_ =	shalt  }
0x7b: {  	_ =	shalt  }
0x7c: {  	_ =	shalt  }
0x7d: {  	_ =	shalt  }
0x7e: {  	_ =	shalt  }
0x7f: {  	_ =	shalt  }
0x80: {  	_ =	shalt  }
0x81: {  	_ =	shalt  }
0x82: {  	_ =	shalt  }
0x83: {  	_ =	shalt  }
0x84: {  	_ =	shalt  }
0x85: {  	_ =	shalt  }
0x86: {  	_ =	shalt  }
0x87: {  	_ =	shalt  }
.Lfunc_end0:
.L_simem_size_0:
called_computation_lowered:
.L_overlay_start_0:
0x88: {  	s2 =	sld [smem:$0x3FD9]  }
0x89: {  	s3 =	sld [smem:$0x3FFE];
	_ =	sdelay $0x1  }
0x8a: {  	s1 =	srdreg.scid  }
0x8b: {  	s0 =	sand.u32 $0x1, s1  }
0x8c: {  	s17 =	sshll.u32 s0, $0xA;
	s2 =	sadd.s32 s3, s2  }
0x8d: {  	s2 =	sadd.s32 s2, s17  }
0x8e: {  	[smem:$0x3FBE] =	sst s2  }
0x8f: {  	_ = 	snop  }
0x90: {  	s2 =	sld [smem:$0x3FD0];
	(tm) =	ssettm $0x1  }
0x91: {  	s18 =	sld [smem:$0x3FFB];
	_ =	sdelay $0x3  }
0x92: {  	_ =	strace s18  }
0x93: {  	s3 =	sld [smem:$0x3FFC];
	_ =	sdelay $0x3  }
0x94: {  	_ =	strace s3  }
0x95: {  	s3 =	sld [smem:$0x3FFD];
	_ =	sdelay $0x3  }
0x96: {  	_ =	strace s3  }
0x97: {  	_ =	strace $0x8FFFFFFF  }
0x98: {  	s19 =	sld [smem:$0x3FDB];
	_ =	sdelay $0x1  }
0x99: {  	s4 =	simm.s32 $_scs_section_size  }
0x9a: {  	s5 =	simm.s32 $_size__tile_overlayer_lowered;
	s6 =	simm.s32 $_tile_overlayer_lowered  }
0x9b: {  	s22 =	simm.s32 $0x1BFF;
	s21 =	sshll.u32 s6, $0x1;
	s3 =	sadd.s32 s4, s19  }
0x9c: {  	s7 =	simm.s32 $0x0;
	s20 =	sshll.u32 s5, $0x1;
	s5 =	sadd.s32 s21, s3  }
0x9d: {  	[timem:s7], [sflag:s22] =	dma.local [hbm:s5], s20  }
0x9e: {  	_ =	swait.ge [sflag:s22], s20  }
0x9f: {  	s4 =	ssub.s32 $0x0, s20;
	[sflag:s22] =	ssyncset.done $0x0  }
0xa0: {  	[sflag:s22] =	ssyncadd.s32 s4;
	_ =	sdelay $0x1  }
0xa1: {  	s23 =	simm.s32 $0x1B8B  }
0xa2: {  	_ =	swait.ge [sflag:s23], $0x1  }
0xa3: {  	[sflag:s23] =	ssyncset.done $0x0  }
0xa4: {  	s25 =	simm.s32 $0x1B8E;
	s24 =	sld [smem:$0x3FFE];
	[sflag:s23] =	ssyncadd.s32 $0xFFFFFFFF  }
0xa5: {  	s26 =	simm.s32 $execute0_lowered;
	[smem:$0x3FD2] =	sst s25  }
0xa6: {  	s5 =	sshll.u32 s26, $0x1;
	_ =	strace $0x80000046;
	[dreg:$0x1] =	wrdreg $0xFFFFFFFF  }
0xa7: {  	s28 =	simm.s32 $_size_execute0_lowered;
	s3 =	sadd.s32 s3, s5;
	[dreg:$0x0] =	wrdreg $0x0  }
0xa8: {  	s5 =	sshll.u32 s28, $0x1;
	[dreg:$0x2] =	wrdreg s3  }
0xa9: {  	[dreg:$0x3] =	wrdreg s5  }
0xaa: {  	[dreg:$0x4] =	wrdreg $0xC0  }
0xab: {  	_ =	task [dreg:s7], $0x5FFFF  }
0xac: {  	[dreg:$0x1] =	wrdreg $0xFFFFFFFF  }
0xad: {  	[dreg:$0x0] =	wrdreg $0x60  }
0xae: {  	[dreg:$0x2] =	wrdreg s24  }
0xaf: {  	[dreg:$0x3] =	wrdreg s2  }
0xb0: {  	[dreg:$0x4] =	wrdreg $0x9  }
0xb1: {  	_ =	task.clear_ibuf [dreg:s7], $0x5FFFF;
	_ =	strace $0x90000046  }
0xb2: {  	s29 =	simm.s32 $0x9;
	_ =	strace $0x80000048  }
0xb3: {  	_ =	swait.ge [sflag:s29], $0x1  }
0xb4: {  	[sflag:s29] =	ssyncadd.s32 $0xFFFFFFFF  }
0xb5: {  	_ =	strace $0x90000048  }
0xb6: {  	_ =	sfence  }
0xb7: {  	s30 =	sld [smem:$0x0];
	_ =	sdelay $0x2  }
0xb8: {  	s31 =	sshll.u32 s1, $0xD;
	s1 =	sshrl.u32 s1, $0x2  }
0xb9: {  	s3 =	sand.u32 $0x4000, s31;
	s1 =	sadd.s32 s1, s30  }
0xba: {  	s0 =	sor.u32 s3, s0;
	s1 =	sshll.u32 s1, $0x11  }
0xbb: {  	s0 =	sor.u32 s1, s0  }
0xbc: {  	s0 =	sadd.s32 $0x8F2B, s0  }
0xbd: {  	[sflag:s0] =	ssyncadd.remote.s32 $0x1  }
0xbe: {  	_ =	sfence.sel $0xFFFF  }
0xbf: {  	[dreg:$0x0] =	wrdreg $0xFFFFFFFF;
	(pc) =	sbr.abs _section_cstart, $3  }
0xc0: {  	[dreg:$0x1] =	wrdreg $0xFFFFFFFF  }
0xc1: {  	_ =	task.clear_ibuf [dreg:s7], $0x2FFFF;
	_ =	strace $0x9FFFFFFF  }
0xc2: {  	(tm) =	ssettm $0x7FFFFFFF  }
0xc3: {  	_ =	shalt  }
tec
execute0_lowered:
.L_overlay_start_1:
0x0: {  	(tag) =	ssettag $0x1  }
0x1: {  	s1 =	srdreg.scid;
	s0 =	stileid.u32  }
0x2: {  	s5 =	rddreg [dreg:$0x0];
	s10 =	sand.u32 $0x1, s1;
	s29 =	sshll.u32 s0, $0x1  }
0x3: {  	s11 =	rddreg [dreg:$0x1];
	s12 =	sor.u32 s10, s29  }
0x4: {  	s2 =	simm.s32 $0x0;
	s1 =	rddreg [dreg:$0x2];
	s3 =	sshll.u32 s12, $0x5  }
0x5: {  	[smem:$0x7FF] =	sst s2;
	s3 =	sadd.s32 s3, s5  }
0x6: {  	_ =	strace $0x80000047;
	s4 =	sadd.s32 $0xC1800, s3;
	s3 =	simm.s32 $0x2  }
0x7: {  	[tilespmem:s2], [sflag:$0x2] =	stream.linear.gather [hbm4b:s4+s2], $0x100, $0x38;
	[tilespmem:$0x8100] =	vst v63  }
0x8: {  	_ =	swait.ge [sflag:s3], $0x100  }
0x9: {  	s6 =	simm.s32 $0x80;
	[sflag:s3] =	ssyncset.done $0x0  }
0xa: {  	s7 =	simm.s32 $0x100;
	s5 =	sadd.s32 $0x1800, s5;
	[sflag:s3] =	ssyncadd.s32 $0xFFFFFF00  }
0xb: {  	[tilespmem:s7], [sflag:$0x1] =	stream.indirect.gather [hbm4b:s5+s6], $0x80, s2, s6, $0xb8;
	[tilespmem:$0x8100] =	vst v63  }
0xc: {  	s8 =	simm.s32 $0x4100;
	s9 =	simm.s32 $0x1;
	s10 =	ssub.s32 $0x2, s10  }
0xd: {  	[tilespmem:s8], [sflag:$0x1] =	stream.indirect.gather [hbm4b:s5+s6], $0x80, s6, s6, $0xb8;
	[tilespmem:$0x8100] =	vst v63  }
0xe: {  	s13 =	sshrl.u32 s10, $0x1;
	_ =	swait.ge [sflag:s9], $0x4000  }
0xf: {  	s13 =	ssub.s32 s10, s13;
	[sflag:s9] =	ssyncset.done $0x0  }
0x10: {  	s31 =	smax.u32 s13, $0x1;
	[sflag:s9] =	ssyncadd.s32 $0xFFFFC000  }
0x11: {  	p0 =	sne.s32 s31, $0x1;
	_ =	swait.ge [sflag:s9], $0x4000  }
.Ltmp0:
0x12: {  	s30 =	sshll.u32 s12, $0xC;
	[sflag:s9] =	ssyncset.done $0x0;
	(pc) =	sbr.rel @!p0 .LBB2_2-.Ltmp0, $4  }
0x13: {  	s10 =	sadd.s32 s11, s30;
	[sflag:s9] =	ssyncadd.s32 $0xFFFFC000  }
0x14: {  	[hbm4b:s10+s2] =	stream.linear.scatter [tilespmem:s7], [sflag:$0x2], $0x8000, $0x38;
	[tilespmem:$0x8100] =	vst v63  }
0x15: {  	_ =	swait.ge [sflag:s3], $0x8000  }
0x16: {  	s11 =	sadd.s32 $0xFFFFFFFF, s31;
	[sflag:s3] =	ssyncset.done $0x0  }
.LBB2_1:
0x17: {  	p0 =	sne.s32 s11, $0x1;
	s11 =	sadd.s32 $0xFFFFFFFF, s11;
	[sflag:s3] =	ssyncadd.s32 $0xFFFF8000  }
0x18: {  	[tilespmem:s2], [sflag:$0x2] =	stream.linear.gather [hbm4b:s4+s2], $0x100, $0x38;
	[tilespmem:$0x8100] =	vst v63  }
0x19: {  	_ =	swait.ge [sflag:s3], $0x100  }
0x1a: {  	[sflag:s3] =	ssyncset.done $0x0  }
0x1b: {  	[sflag:s3] =	ssyncadd.s32 $0xFFFFFF00  }
0x1c: {  	[tilespmem:s7], [sflag:$0x1] =	stream.indirect.gather [hbm4b:s5+s6], $0x80, s2, s6, $0xb8;
	[tilespmem:$0x8100] =	vst v63  }
0x1d: {  	_ = 	snop  }
0x1e: {  	[tilespmem:s8], [sflag:$0x1] =	stream.indirect.gather [hbm4b:s5+s6], $0x80, s6, s6, $0xb8;
	[tilespmem:$0x8100] =	vst v63  }
0x1f: {  	_ =	swait.ge [sflag:s9], $0x4000  }
0x20: {  	[sflag:s9] =	ssyncset.done $0x0  }
0x21: {  	[sflag:s9] =	ssyncadd.s32 $0xFFFFC000  }
0x22: {  	_ =	swait.ge [sflag:s9], $0x4000  }
.Ltmp1:
0x23: {  	[sflag:s9] =	ssyncset.done $0x0;
	(pc) =	sbr.rel @p0 .LBB2_1-.Ltmp1, $4  }
0x24: {  	[sflag:s9] =	ssyncadd.s32 $0xFFFFC000  }
0x25: {  	[hbm4b:s10+s2] =	stream.linear.scatter [tilespmem:s7], [sflag:$0x2], $0x8000, $0x38;
	[tilespmem:$0x8100] =	vst v63  }
0x26: {  	_ =	swait.ge [sflag:s3], $0x8000  }
0x27: {  	[sflag:s3] =	ssyncset.done $0x0  }
.LBB2_2:
0x28: {  	[sflag:s3] =	ssyncadd.s32 $0xFFFF8000  }
0x29: {  	_ =	sfence.sel $0x180000  }
0x2a: {  	[bflag:$0x0] =	sbarrier.arrive $0xFFFF  }
0x2b: {  	p0 =	sne.s32 s0, $0x0;
	_ =	strace $0x90000047  }
0x2c: {  	s0 =	sadd.s32 @!p0 $0x100000, s1;
	[bflag:$0x2] =	sbarrier.arrive $0xFFFF  }
0x2d: {  	[sflag:s0] =	ssyncadd.tile.s32 @!p0 $0x1;
	_ =	shalt  }
.Lfunc_end2:
_tile_overlayer_lowered:
.L_overlay_start_2:
0x2e: {  	(tag) =	ssettag $0x2  }
0x2f: {  	s0 =	rddreg [dreg:$0x0];
	s2 =	stileid.u32  }
0x30: {  	s1 =	rddreg [dreg:$0x1];
	p0 =	sne.s32 s2, $0x0  }
0x31: {  	s3 =	rddreg [dreg:$0x2];
	[bflag:$0x3] =	sbarrier.arrive $0xFFFF;
	s2 =	simm.s32 @!p0 $0x1C02  }
0x32: {  	[timem:s3], [sflag:s2] =	dma.local @!p0 [hbm:s0], s1  }
0x33: {  	s0 =	simm.s32 @!p0 $0x2  }
0x34: {  	_ =	swait.ge @!p0 [sflag:s0], s1  }
0x35: {  	s1 =	ssub.s32 @!p0 $0x0, s1;
	[sflag:s0] =	ssyncset.done @!p0 $0x0  }
0x36: {  	[sflag:s0] =	ssyncadd.s32 @!p0 s1  }
0x37: {  	[bflag:$0x3] =	sbarrier.arrive $0xFFFF  }
0x38: {  	_ =	shalt  }

</sc_bundles>
